<compile_context>
chip_gen: v7x
topology: tpu7x:2x2x1
jax: 0.10.2.dev20260603
libtpu: 0.0.44.dev20260713+nightly
codegen_flags: <defaults>
</compile_context>

<pallas_src>
import functools
import math

import jax
import jax.numpy as jnp
from jax import lax
from jax.experimental import pallas as pl
from jax.experimental.pallas import tpu as pltpu
from jax.experimental.pallas import tpu_sc as plsc

B = 8
C = 3
H = 512
P = 16
D = 384
N = (H // P) ** 2
NT = B * N
K = 8192
NH = 4
FF = 768
NC = 8

TOK_TILE = 1024
N_TOK_TILES = NT // TOK_TILE
K_TILE = 1024
N_K_TILES = K // K_TILE


def _vq_kernel(z_ref, zsq_ref, cb_ref, csq_ref, idx_ref):
    zt = z_ref[...]
    zsq = zsq_ref[...]
    best = jnp.full((TOK_TILE,), jnp.inf, jnp.float32)
    bestidx = jnp.zeros((TOK_TILE,), jnp.int32)
    for j in range(N_K_TILES):
        cb = cb_ref[pl.ds(j * K_TILE, K_TILE), :]
        csq = csq_ref[0, pl.ds(j * K_TILE, K_TILE)]
        m = lax.dot_general(zt, cb, (((1,), (1,)), ((), ())),
                            preferred_element_type=jnp.float32)
        d = (zsq + csq[None, :]) - 2.0 * m
        jmin = jnp.min(d, axis=1)
        ii = lax.broadcasted_iota(jnp.int32, d.shape, 1)
        jarg = jnp.min(jnp.where(d == jmin[:, None], ii, K),
                       axis=1) + (j * K_TILE)
        upd = jmin < best
        best = jnp.where(upd, jmin, best)
        bestidx = jnp.where(upd, jarg, bestidx)
    idx_ref[0, 0, :] = bestidx


def _vq_indices(z, codebook):
    zsq = (z ** 2).sum(1, keepdims=True)
    csq = (codebook ** 2).sum(1)[None, :]
    idx3 = pl.pallas_call(
        _vq_kernel,
        grid=(N_TOK_TILES,),
        in_specs=[
            pl.BlockSpec((TOK_TILE, D), lambda i: (i, 0)),
            pl.BlockSpec((TOK_TILE, 1), lambda i: (i, 0)),
            pl.BlockSpec((K, D), lambda i: (0, 0)),
            pl.BlockSpec((1, K), lambda i: (0, 0)),
        ],
        out_specs=pl.BlockSpec((1, 1, TOK_TILE), lambda i: (i, 0, 0)),
        out_shape=jax.ShapeDtypeStruct((N_TOK_TILES, 1, TOK_TILE), jnp.int32),
    )(z, zsq, codebook, csq)
    return idx3.reshape(NT)


def _gather_sc(codebook, idx):
    try:
        info = plsc.get_sparse_core_info()
        n_cores, n_sub = info.num_cores, info.num_subcores
    except Exception:
        n_cores, n_sub = 2, 16
    nw = n_cores * n_sub
    rows_per_w = NT // nw

    @functools.partial(
        pl.kernel,
        out_type=jax.ShapeDtypeStruct((NT, D), jnp.float32),
        mesh=plsc.VectorSubcoreMesh(core_axis_name="c", subcore_axis_name="s"),
        scratch_types=[
            pltpu.VMEM((rows_per_w,), jnp.int32),
            pltpu.VMEM((rows_per_w, D), jnp.float32),
            pltpu.SemaphoreType.DMA,
        ],
    )
    def gather_k(table_hbm, idx_hbm, out_hbm, idx_v, rows_v, sem):
        wid = lax.axis_index("s") * n_cores + lax.axis_index("c")
        base = wid * rows_per_w
        pltpu.sync_copy(idx_hbm.at[pl.ds(base, rows_per_w)], idx_v)
        pltpu.async_copy(table_hbm.at[idx_v], rows_v, sem).wait()
        pltpu.sync_copy(rows_v, out_hbm.at[pl.ds(base, rows_per_w)])

    return gather_k(codebook, idx)


def _head_kernel(q_ref, w_ref, b_ref, out_ref):
    pooled = jnp.mean(q_ref[...], axis=1)
    out_ref[...] = (jnp.dot(pooled, w_ref[...],
                            preferred_element_type=jnp.float32) + b_ref[...])


def _head(quantized, head_w, head_b):
    return pl.pallas_call(
        _head_kernel,
        grid=(1,),
        in_specs=[
            pl.BlockSpec((B, N, D), lambda i: (0, 0, 0)),
            pl.BlockSpec((D, NC), lambda i: (0, 0)),
            pl.BlockSpec((1, NC), lambda i: (0, 0)),
        ],
        out_specs=pl.BlockSpec((B, NC), lambda i: (0, 0)),
        out_shape=jax.ShapeDtypeStruct((B, NC), jnp.float32),
    )(quantized, head_w.T, head_b.reshape(1, NC))


def _layer_norm(x, s, b):
    m = x.mean(-1, keepdims=True)
    v = ((x - m) ** 2).mean(-1, keepdims=True)
    return (x - m) / jnp.sqrt(v + 1e-5) * s + b


def kernel(image, conv_w, conv_b, pos_embed, stat_w1, stat_b1, stat_w2,
           stat_b2, ln1_s, ln1_b, qkv_w, qkv_b, out_w, out_b, ln2_s, ln2_b,
           ff1_w, ff1_b, ff2_w, ff2_b, codebook, head_w, head_b):
    Bv = image.shape[0]
    x = jax.lax.conv_general_dilated(image, conv_w, (P, P), 'VALID',
                                     dimension_numbers=('NCHW', 'OIHW', 'NCHW'))
    x = x + conv_b[None, :, None, None]
    x = x.reshape(Bv, D, -1).transpose(0, 2, 1)
    pixels = image.reshape(Bv, C, -1)
    mean = pixels.mean(-1)
    std = jnp.std(pixels, axis=-1, ddof=1)
    mn = pixels.min(axis=-1)
    mx = pixels.max(axis=-1)
    lum = 0.299 * pixels[:, 0] + 0.587 * pixels[:, 1] + 0.114 * pixels[:, 2]
    lm = lum.mean(-1, keepdims=True)
    ls = jnp.std(lum, axis=-1, ddof=0)
    skew = ((lum - lm) ** 3).mean(-1) / (ls ** 3 + 1e-6)
    kurt = ((lum - lm) ** 4).mean(-1) / (ls ** 4 + 1e-6)
    dark = (lum < 0.2).astype(jnp.float32).mean(-1)
    stats = jnp.concatenate([mean, std, mn, mx, skew[:, None], kurt[:, None],
                             dark[:, None]], axis=-1)
    hmid = jnp.maximum(stats @ stat_w1.T + stat_b1, 0.0)
    stat_feat = hmid @ stat_w2.T + stat_b2
    x = x + pos_embed + stat_feat[:, None, :]
    hd = D // NH
    for l in range(2):
        h1 = _layer_norm(x, ln1_s[l], ln1_b[l])
        qkv = h1 @ qkv_w[l].T + qkv_b[l]
        q, k, v = jnp.split(qkv, 3, axis=-1)
        qh = q.reshape(Bv, -1, NH, hd).transpose(0, 2, 1, 3)
        kh = k.reshape(Bv, -1, NH, hd).transpose(0, 2, 1, 3)
        vh = v.reshape(Bv, -1, NH, hd).transpose(0, 2, 1, 3)
        attn = jax.nn.softmax(qh @ kh.transpose(0, 1, 3, 2) / (hd ** 0.5),
                              axis=-1)
        ao = (attn @ vh).transpose(0, 2, 1, 3).reshape(Bv, -1, D)
        x = x + ao @ out_w[l].T + out_b[l]
        h2 = _layer_norm(x, ln2_s[l], ln2_b[l])
        ff = (jax.nn.gelu(h2 @ ff1_w[l].T + ff1_b[l], approximate=False)
              @ ff2_w[l].T + ff2_b[l])
        x = x + ff

    z = x.reshape(-1, D)
    idx = _vq_indices(z, codebook)
    qz = _gather_sc(codebook, idx)

    quantized = qz.reshape(Bv, -1, D)
    indices = idx.reshape(Bv, -1)
    logits = _head(quantized, head_w, head_b)
    return quantized, indices, logits

# --- scband reference (transcript-rebuilt; emitter-appended) ---
"""Pipeline reference for scband-scene-prompt-module-v2-20392504721505 (READ-ONLY COPY).

The authoritative reference and input builder live on the scoring server;
editing this copy changes nothing except your own understanding.
"""

import jax, jax.numpy as jnp
import numpy as np

B = 8; C = 3; H = 512; P = 16; D = 384; N = (H // P) ** 2; K = 8192; NH = 4; FF = 768; NC = 8


def setup_inputs(seed: int = 0) -> dict:
    key = jax.random.key(seed)
    ks = jax.random.split(key, 20)
    s = 0.02
    inp = {}
    inp['image'] = jax.random.uniform(ks[0], (B, C, H, H), dtype=jnp.float32)
    inp['conv_w'] = jax.random.normal(ks[1], (D, C, P, P), dtype=jnp.float32) * s
    inp['conv_b'] = jnp.zeros((D,), jnp.float32)
    inp['pos_embed'] = jax.random.normal(ks[2], (1, N, D), dtype=jnp.float32) * 0.02
    inp['stat_w1'] = jax.random.normal(ks[3], (128, 15), dtype=jnp.float32) * s
    inp['stat_b1'] = jnp.zeros((128,), jnp.float32)
    inp['stat_w2'] = jax.random.normal(ks[4], (D, 128), dtype=jnp.float32) * s
    inp['stat_b2'] = jnp.zeros((D,), jnp.float32)
    inp['ln1_s'] = jnp.ones((2, D), jnp.float32)
    inp['ln1_b'] = jnp.zeros((2, D), jnp.float32)
    inp['qkv_w'] = jax.random.normal(ks[5], (2, 3 * D, D), dtype=jnp.float32) * s
    inp['qkv_b'] = jnp.zeros((2, 3 * D), jnp.float32)
    inp['out_w'] = jax.random.normal(ks[6], (2, D, D), dtype=jnp.float32) * s
    inp['out_b'] = jnp.zeros((2, D), jnp.float32)
    inp['ln2_s'] = jnp.ones((2, D), jnp.float32)
    inp['ln2_b'] = jnp.zeros((2, D), jnp.float32)
    inp['ff1_w'] = jax.random.normal(ks[7], (2, FF, D), dtype=jnp.float32) * s
    inp['ff1_b'] = jnp.zeros((2, FF), jnp.float32)
    inp['ff2_w'] = jax.random.normal(ks[8], (2, D, FF), dtype=jnp.float32) * s
    inp['ff2_b'] = jnp.zeros((2, D), jnp.float32)
    inp['codebook'] = jax.random.uniform(ks[9], (K, D), dtype=jnp.float32, minval=-1.0 / K, maxval=1.0 / K)
    inp['head_w'] = jax.random.normal(ks[10], (NC, D), dtype=jnp.float32) * s
    inp['head_b'] = jnp.zeros((NC,), jnp.float32)
    return inp


def _layer_norm(x, s, b):
    m = x.mean(-1, keepdims=True)
    v = ((x - m) ** 2).mean(-1, keepdims=True)
    return (x - m) / jnp.sqrt(v + 1e-5) * s + b


def _forward(image, conv_w, conv_b, pos_embed, stat_w1, stat_b1, stat_w2, stat_b2, ln1_s, ln1_b, qkv_w, qkv_b, out_w, out_b, ln2_s, ln2_b, ff1_w, ff1_b, ff2_w, ff2_b, codebook, head_w, head_b):
    Bv = image.shape[0]
    # PatchEmbedding: Conv2d(kernel=P, stride=P) then flatten(2).transpose(1,2)
    x = jax.lax.conv_general_dilated(image, conv_w, (P, P), 'VALID', dimension_numbers=('NCHW', 'OIHW', 'NCHW'))
    x = x + conv_b[None, :, None, None]
    x = x.reshape(Bv, D, -1).transpose(0, 2, 1)
    # StatisticalEncoder
    pixels = image.reshape(Bv, C, -1)
    mean = pixels.mean(-1)
    std = jnp.std(pixels, axis=-1, ddof=1)
    mn = pixels.min(axis=-1)
    mx = pixels.max(axis=-1)
    lum = 0.299 * pixels[:, 0] + 0.587 * pixels[:, 1] + 0.114 * pixels[:, 2]
    lm = lum.mean(-1, keepdims=True)
    ls = jnp.std(lum, axis=-1, ddof=0)
    skew = ((lum - lm) ** 3).mean(-1) / (ls ** 3 + 1e-6)
    kurt = ((lum - lm) ** 4).mean(-1) / (ls ** 4 + 1e-6)
    dark = (lum < 0.2).astype(jnp.float32).mean(-1)
    stats = jnp.concatenate([mean, std, mn, mx, skew[:, None], kurt[:, None], dark[:, None]], axis=-1)
    hmid = jnp.maximum(stats @ stat_w1.T + stat_b1, 0.0)
    stat_feat = hmid @ stat_w2.T + stat_b2
    # combine tokens: patch features + positional embedding + broadcast scene statistics
    x = x + pos_embed + stat_feat[:, None, :]
    # 2-layer pre-LN transformer encoder (nhead=4, gelu, eval mode -> no dropout)
    hd = D // NH
    for l in range(2):
        h1 = _layer_norm(x, ln1_s[l], ln1_b[l])
        qkv = h1 @ qkv_w[l].T + qkv_b[l]
        q, k, v = jnp.split(qkv, 3, axis=-1)
        qh = q.reshape(Bv, -1, NH, hd).transpose(0, 2, 1, 3)
        kh = k.reshape(Bv, -1, NH, hd).transpose(0, 2, 1, 3)
        vh = v.reshape(Bv, -1, NH, hd).transpose(0, 2, 1, 3)
        attn = jax.nn.softmax(qh @ kh.transpose(0, 1, 3, 2) / (hd ** 0.5), axis=-1)
        ao = (attn @ vh).transpose(0, 2, 1, 3).reshape(Bv, -1, D)
        x = x + ao @ out_w[l].T + out_b[l]
        h2 = _layer_norm(x, ln2_s[l], ln2_b[l])
        ff = jax.nn.gelu(h2 @ ff1_w[l].T + ff1_b[l], approximate=False) @ ff2_w[l].T + ff2_b[l]
        x = x + ff
    # PromptSequenceVQ (eval path): nearest-codebook quantization + straight-through
    z_flat = x.reshape(-1, D)
    d = (z_flat ** 2).sum(1, keepdims=True) + (codebook ** 2).sum(1)[None, :] - 2.0 * (z_flat @ codebook.T)
    idx = jnp.argmin(d, axis=1)
    qz = jnp.take(codebook, idx, axis=0).reshape(Bv, -1, D)
    quantized = x + jax.lax.stop_gradient(qz - x)
    indices = idx.reshape(Bv, -1)
    logits = quantized.mean(1) @ head_w.T + head_b
    return quantized, indices, logits


def reference(image, conv_w, conv_b, pos_embed, stat_w1, stat_b1, stat_w2, stat_b2, ln1_s, ln1_b, qkv_w, qkv_b, out_w, out_b, ln2_s, ln2_b, ff1_w, ff1_b, ff2_w, ff2_b, codebook, head_w, head_b):
    return _forward(image, conv_w, conv_b, pos_embed, stat_w1, stat_b1, stat_w2, stat_b2, ln1_s, ln1_b, qkv_w, qkv_b, out_w, out_b, ln2_s, ln2_b, ff1_w, ff1_b, ff2_w, ff2_b, codebook, head_w, head_b)

if __name__ == "__main__":
    import jax
    _d = setup_inputs()
    print(jax.jit(kernel)(*tuple(_d.values())))

</pallas_src>

<mosaic_0001>
#map = affine_map<(d0, d1) -> (0, 0)>
#map1 = affine_map<(d0, d1) -> (0)>
module attributes {stable_mosaic.version = 14 : i64} {
  func.func @gather_k(%arg0: i32, %arg1: i32, %arg2: memref<8192x384xf32, #tpu.memory_space<hbm>>, %arg3: memref<8192xi32, #tpu.memory_space<hbm>>, %arg4: memref<8192x384xf32, #tpu.memory_space<hbm>>, %arg5: memref<256xi32, #tpu.memory_space<vmem>>, %arg6: memref<256x384xf32, #tpu.memory_space<vmem>>, %arg7: memref<!tpu.dma_semaphore, #tpu.memory_space<semaphore_mem>>) attributes {dimension_semantics = [#tpu.dimension_semantics<core_parallel>, #tpu.dimension_semantics<subcore_parallel>], iteration_bounds = array<i64: 2, 16>, scalar_prefetch = 0 : i64, scratch_operands = 3 : i64, tpu.core_type = #tpu.core_type<sc_vector_subcore>, window_params = [{transform_indices = #map}, {transform_indices = #map1}, {transform_indices = #map}]} {
    %mul3A = arith.constant 2 : i32
    %mul3A_0 = arith.muli %arg1, %mul3A : i32
    %add3A = arith.addi %mul3A_0, %arg0 : i32
    %mul3A_1 = arith.constant 256 : i32
    %mul3A_2 = arith.muli %add3A, %mul3A_1 : i32
    "tpu.region"() ({
      %run_scoped3A = tpu.sem_alloc : memref<!tpu.dma_semaphore, #tpu.memory_space<semaphore_mem>>
      %dma_start3A_7 = tpu.memref_slice %arg3[%mul3A_2] : memref<8192xi32, #tpu.memory_space<hbm>> -> memref<256xi32, #tpu.memory_space<hbm>>
      %dma_start3A_8 = tpu.memref_slice %arg3[%mul3A_2] : memref<8192xi32, #tpu.memory_space<hbm>> -> memref<256xi32, #tpu.memory_space<hbm>>
      tpu.enqueue_dma source(%dma_start3A_8 : memref<256xi32, #tpu.memory_space<hbm>>) target(%arg5 : memref<256xi32, #tpu.memory_space<vmem>>) target_semaphore(%run_scoped3A : memref<!tpu.dma_semaphore, #tpu.memory_space<semaphore_mem>>)
      %dma_wait3A_9 = tpu.memref_slice %arg3[%mul3A_2] : memref<8192xi32, #tpu.memory_space<hbm>> -> memref<256xi32, #tpu.memory_space<hbm>>
      %dma_wait3A_10 = tpu.memref_slice %arg3[%mul3A_2] : memref<8192xi32, #tpu.memory_space<hbm>> -> memref<256xi32, #tpu.memory_space<hbm>>
      tpu.wait_dma2 semaphore(%run_scoped3A : memref<!tpu.dma_semaphore, #tpu.memory_space<semaphore_mem>>) src(%dma_wait3A_10 : memref<256xi32, #tpu.memory_space<hbm>>) dst(%arg5 : memref<256xi32, #tpu.memory_space<vmem>>)
      tpu.yield
    }) : () -> ()
    %dma_start3A = arith.constant 0 : i32
    %dma_start3A_3 = arith.constant 0 : i32
    %dma_start3A_4 = tpu.memref_slice %arg2[%dma_start3A, %dma_start3A_3] : memref<8192x384xf32, #tpu.memory_space<hbm>> -> memref<8192x384xf32, #tpu.memory_space<hbm>>
    tpu.enqueue_indirect_dma source(%dma_start3A_4 : memref<8192x384xf32, #tpu.memory_space<hbm>>) target(%arg6 : memref<256x384xf32, #tpu.memory_space<vmem>>) offsets(%arg5 : memref<256xi32, #tpu.memory_space<vmem>>) semaphore(%arg7 : memref<!tpu.dma_semaphore, #tpu.memory_space<semaphore_mem>>)
    %dma_wait3A = arith.constant 0 : i32
    %dma_wait3A_5 = arith.constant 0 : i32
    %dma_wait3A_6 = tpu.memref_slice %arg2[%dma_wait3A, %dma_wait3A_5] : memref<8192x384xf32, #tpu.memory_space<hbm>> -> memref<8192x384xf32, #tpu.memory_space<hbm>>
    tpu.wait_indirect_dma semaphore(%arg7 : memref<!tpu.dma_semaphore, #tpu.memory_space<semaphore_mem>>) src(%dma_wait3A_6 : memref<8192x384xf32, #tpu.memory_space<hbm>>) dst(%arg6 : memref<256x384xf32, #tpu.memory_space<vmem>>)
    "tpu.region"() ({
      %run_scoped3A = tpu.sem_alloc : memref<!tpu.dma_semaphore, #tpu.memory_space<semaphore_mem>>
      %dma_start3A_7 = arith.constant 0 : i32
      %dma_start3A_8 = tpu.memref_slice %arg4[%mul3A_2, %dma_start3A_7] : memref<8192x384xf32, #tpu.memory_space<hbm>> -> memref<256x384xf32, #tpu.memory_space<hbm>>
      %dma_start3A_9 = arith.constant 0 : i32
      %dma_start3A_10 = tpu.memref_slice %arg4[%mul3A_2, %dma_start3A_9] : memref<8192x384xf32, #tpu.memory_space<hbm>> -> memref<256x384xf32, #tpu.memory_space<hbm>>
      tpu.enqueue_dma source(%arg6 : memref<256x384xf32, #tpu.memory_space<vmem>>) target(%dma_start3A_10 : memref<256x384xf32, #tpu.memory_space<hbm>>) target_semaphore(%run_scoped3A : memref<!tpu.dma_semaphore, #tpu.memory_space<semaphore_mem>>)
      %dma_wait3A_11 = arith.constant 0 : i32
      %dma_wait3A_12 = tpu.memref_slice %arg4[%mul3A_2, %dma_wait3A_11] : memref<8192x384xf32, #tpu.memory_space<hbm>> -> memref<256x384xf32, #tpu.memory_space<hbm>>
      %dma_wait3A_13 = arith.constant 0 : i32
      %dma_wait3A_14 = tpu.memref_slice %arg4[%mul3A_2, %dma_wait3A_13] : memref<8192x384xf32, #tpu.memory_space<hbm>> -> memref<256x384xf32, #tpu.memory_space<hbm>>
      tpu.wait_dma2 semaphore(%run_scoped3A : memref<!tpu.dma_semaphore, #tpu.memory_space<semaphore_mem>>) src(%arg6 : memref<256x384xf32, #tpu.memory_space<vmem>>) dst(%dma_wait3A_14 : memref<256x384xf32, #tpu.memory_space<hbm>>)
      tpu.yield
    }) : () -> ()
    return
  }
}

module {
  func.func @main(%arg0: i32, %arg1: i32, %arg2: i32, %arg3: i32, %arg4: memref<1x1x1024x1024xf32, #tpu.memory_space<vmem>>, %arg5: memref<1x1x1024x96xf32, #tpu.memory_space<vmem>>, %arg6: memref<1x1x1024x96xf32, #tpu.memory_space<vmem>>, %arg7: memref<1x1x1024x1xf32, #tpu.memory_space<vmem>>, %arg8: memref<1x1x1024x1xf32, #tpu.memory_space<vmem>>) attributes {dimension_semantics = [#tpu.dimension_semantics<parallel>, #tpu.dimension_semantics<parallel>, #tpu.dimension_semantics<parallel>, #tpu.dimension_semantics<arbitrary>], iteration_bounds = array<i64: 8, 4, 1, 1>, scratch_operands = 2 : i64, window_params = [{transform_indices = @qk_fn, window_bounds = array<i64: 1, 1, 1024, 1024>}, {transform_indices = @v_fn, window_bounds = array<i64: 1, 1, 1024, 96>}, {transform_indices = @oi_fn, window_bounds = array<i64: 1, 1, 1024, 96>}]} {
    %c0 = arith.constant 0 : index
    %c0_i32 = arith.constant 0 : i32
    %0 = arith.cmpi eq, %c0_i32, %arg3 : i32
    scf.if %0 {
      %cst_3 = arith.constant dense<0.000000e+00> : vector<1x1x1024x96xf32>
      vector.store %cst_3, %arg6[%c0, %c0, %c0, %c0] : memref<1x1x1024x96xf32, #tpu.memory_space<vmem>>, vector<1x1x1024x96xf32>
      %cst_4 = arith.constant dense<0xFF800000> : vector<1x1x1024x1xf32>
      vector.store %cst_4, %arg7[%c0, %c0, %c0, %c0] : memref<1x1x1024x1xf32, #tpu.memory_space<vmem>>, vector<1x1x1024x1xf32>
      %cst_5 = arith.constant dense<0.000000e+00> : vector<1x1x1024x1xf32>
      vector.store %cst_5, %arg8[%c0, %c0, %c0, %c0] : memref<1x1x1024x1xf32, #tpu.memory_space<vmem>>, vector<1x1x1024x1xf32>
    }
    %1 = vector.load %arg4[%c0, %c0, %c0, %c0] : memref<1x1x1024x1024xf32, #tpu.memory_space<vmem>>, vector<1x1x1024x1024xf32>
    %cst = arith.constant dense<0xFF800000> : vector<1x1x1024xf32>
    %2 = vector.multi_reduction <maximumf>, %1, %cst [3] : vector<1x1x1024x1024xf32> to vector<1x1x1024xf32>
    %3 = vector.shape_cast %2 : vector<1x1x1024xf32> to vector<1x1x1024x1xf32>
    %4 = vector.load %arg7[%c0, %c0, %c0, %c0] : memref<1x1x1024x1xf32, #tpu.memory_space<vmem>>, vector<1x1x1024x1xf32>
    %5 = arith.maximumf %4, %3 : vector<1x1x1024x1xf32>
    %cst_0 = arith.constant dense<0.000000e+00> : vector<1x1x1024x1xf32>
    %6 = arith.cmpf oeq, %4, %5 : vector<1x1x1024x1xf32>
    %7 = arith.subf %4, %5 : vector<1x1x1024x1xf32>
    %8 = arith.select %6, %cst_0, %7 : vector<1x1x1024x1xi1>, vector<1x1x1024x1xf32>
    %9 = vector.broadcast %5 : vector<1x1x1024x1xf32> to vector<1x1x1024x1024xf32>
    %10 = arith.subf %1, %9 : vector<1x1x1024x1024xf32>
    %11 = math.exp %10 : vector<1x1x1024x1024xf32>
    %cst_1 = arith.constant dense<0.000000e+00> : vector<1x1x1024xf32>
    %12 = vector.multi_reduction <add>, %11, %cst_1 [3] : vector<1x1x1024x1024xf32> to vector<1x1x1024xf32>
    %13 = vector.shape_cast %12 : vector<1x1x1024xf32> to vector<1x1x1024x1xf32>
    %14 = vector.load %arg8[%c0, %c0, %c0, %c0] : memref<1x1x1024x1xf32, #tpu.memory_space<vmem>>, vector<1x1x1024x1xf32>
    %15 = math.exp %8 : vector<1x1x1024x1xf32>
    %16 = arith.mulf %15, %14 : vector<1x1x1024x1xf32>
    %17 = arith.addf %16, %13 : vector<1x1x1024x1xf32>
    %18 = vector.load %arg6[%c0, %c0, %c0, %c0] : memref<1x1x1024x96xf32, #tpu.memory_space<vmem>>, vector<1x1x1024x96xf32>
    %19 = math.exp %8 : vector<1x1x1024x1xf32>
    %20 = arith.mulf %19, %14 : vector<1x1x1024x1xf32>
    %21 = vector.broadcast %20 : vector<1x1x1024x1xf32> to vector<1x1x1024x96xf32>
    %22 = arith.mulf %21, %18 : vector<1x1x1024x96xf32>
    %23 = vector.load %arg5[%c0, %c0, %c0, %c0] : memref<1x1x1024x96xf32, #tpu.memory_space<vmem>>, vector<1x1x1024x96xf32>
    %24 = vector.shape_cast %23 : vector<1x1x1024x96xf32> to vector<1024x96xf32>
    %25 = vector.shape_cast %11 : vector<1x1x1024x1024xf32> to vector<1024x1024xf32>
    %26 = vector.shape_cast %22 : vector<1x1x1024x96xf32> to vector<1024x96xf32>
    %27 = tpu.matmul %25, %24, %26 {dimension_numbers = #tpu.dot_dimension_numbers<[1], [0], [0], [1], [0, 0, 1, 1], [], []>, precision = #tpu.contract_precision<bf16>, transpose_lhs_hint = false} : vector<1024x1024xf32>, vector<1024x96xf32>, vector<1024x96xf32> -> vector<1024x96xf32>
    %28 = vector.shape_cast %27 : vector<1024x96xf32> to vector<1x1x1024x96xf32>
    %cst_2 = arith.constant dense<1.000000e+00> : vector<1x1x1024x1xf32>
    %29 = arith.divf %cst_2, %17 : vector<1x1x1024x1xf32>
    %30 = vector.broadcast %29 : vector<1x1x1024x1xf32> to vector<1x1x1024x96xf32>
    %31 = arith.mulf %28, %30 : vector<1x1x1024x96xf32>
    %32 = vector.shape_cast %31 : vector<1x1x1024x96xf32> to vector<1x1x1024x96xf32>
    vector.store %32, %arg6[%c0, %c0, %c0, %c0] : memref<1x1x1024x96xf32, #tpu.memory_space<vmem>>, vector<1x1x1024x96xf32>
    vector.store %5, %arg7[%c0, %c0, %c0, %c0] : memref<1x1x1024x1xf32, #tpu.memory_space<vmem>>, vector<1x1x1024x1xf32>
    vector.store %17, %arg8[%c0, %c0, %c0, %c0] : memref<1x1x1024x1xf32, #tpu.memory_space<vmem>>, vector<1x1x1024x1xf32>
    return
  }
  func.func @qk_fn(%arg0: i32, %arg1: i32, %arg2: i32, %arg3: i32) -> (i32, i32, i32, i32) {
    return %arg0, %arg1, %arg2, %arg3 : i32, i32, i32, i32
  }
  func.func @v_fn(%arg0: i32, %arg1: i32, %arg2: i32, %arg3: i32) -> (i32, i32, i32, i32) {
    %c0_i32 = arith.constant 0 : i32
    return %arg0, %arg1, %arg3, %c0_i32 : i32, i32, i32, i32
  }
  func.func @oi_fn(%arg0: i32, %arg1: i32, %arg2: i32, %arg3: i32) -> (i32, i32, i32, i32) {
    %c0_i32 = arith.constant 0 : i32
    return %arg0, %arg1, %arg2, %c0_i32 : i32, i32, i32, i32
  }
}

module attributes {stable_mosaic.version = 14 : i64} {
  func.func @_vq_kernel(%arg0: i32, %arg1: memref<1024x384xf32, #tpu.memory_space<vmem>>, %arg2: memref<1024x1xf32, #tpu.memory_space<vmem>>, %arg3: memref<8192x384xf32, #tpu.memory_space<vmem>>, %arg4: memref<1x8192xf32, #tpu.memory_space<vmem>>, %arg5: memref<1x1x1024xi32, #tpu.memory_space<vmem>>) attributes {dimension_semantics = [#tpu.dimension_semantics<arbitrary>], iteration_bounds = array<i64: 8>, scalar_prefetch = 0 : i64, scratch_operands = 0 : i64, tpu.core_type = #tpu.core_type<tc>, window_params = [{transform_indices = @transform_0, window_bounds = array<i64: 1024, 384>}, {transform_indices = @transform_1, window_bounds = array<i64: 1024, 1>}, {pipeline_mode = #tpu.pipeline_mode<synchronous>, transform_indices = @transform_2, window_bounds = array<i64: 8192, 384>}, {pipeline_mode = #tpu.pipeline_mode<synchronous>, transform_indices = @transform_3, window_bounds = array<i64: 1, 8192>}, {transform_indices = @transform_4, window_bounds = array<i64: 1, 1, 1024>}]} {
    %get3A = arith.constant 0 : index
    %get3A_0 = arith.constant 0 : index
    %get3A_1 = vector.load %arg1[%get3A, %get3A_0] : memref<1024x384xf32, #tpu.memory_space<vmem>>, vector<1024x384xf32>
    %get3A_2 = arith.constant 0 : index
    %get3A_3 = arith.constant 0 : index
    %get3A_4 = vector.load %arg2[%get3A_2, %get3A_3] : memref<1024x1xf32, #tpu.memory_space<vmem>>, vector<1024x1xf32>
    %broadcast_in_dim3A = arith.constant 0x7F800000 : f32
    %broadcast_in_dim3A_5 = vector.broadcast %broadcast_in_dim3A : f32 to vector<1024xf32>
    %broadcast_in_dim3A_6 = arith.constant 0 : i32
    %broadcast_in_dim3A_7 = vector.broadcast %broadcast_in_dim3A_6 : i32 to vector<1024xi32>
    %get3A_8 = arith.constant 0 : index
    %get3A_9 = arith.constant 0 : index
    %get3A_10 = vector.load %arg3[%get3A_8, %get3A_9] : memref<8192x384xf32, #tpu.memory_space<vmem>>, vector<1024x384xf32>
    %get3A_11 = arith.constant 0 : index
    %get3A_12 = arith.constant 0 : index
    %get3A_13 = vector.load %arg4[%get3A_11, %get3A_12] : memref<1x8192xf32, #tpu.memory_space<vmem>>, vector<1x1024xf32>
    %get3A_14 = vector.shape_cast %get3A_13 : vector<1x1024xf32> to vector<1024xf32>
    %dot_general3A = arith.constant dense<0.000000e+00> : vector<1024x1024xf32>
    %dot_general3A_15 = tpu.matmul %get3A_1, %get3A_10, %dot_general3A {dimension_numbers = #tpu.dot_dimension_numbers<[1], [1], [0], [0], [0, 0, 1, 0], [], []>, transpose_lhs_hint = false} : vector<1024x384xf32>, vector<1024x384xf32>, vector<1024x1024xf32> -> vector<1024x1024xf32>
    %broadcast_in_dim3A_16 = vector.shape_cast %get3A_14 : vector<1024xf32> to vector<1x1024xf32>
    %add3A = vector.broadcast %get3A_4 : vector<1024x1xf32> to vector<1024x1024xf32>
    %add3A_17 = vector.broadcast %broadcast_in_dim3A_16 : vector<1x1024xf32> to vector<1024x1024xf32>
    %add3A_18 = arith.addf %add3A, %add3A_17 : vector<1024x1024xf32>
    %mul3A = arith.constant 2.000000e+00 : f32
    %mul3A_19 = vector.broadcast %mul3A : f32 to vector<1024x1024xf32>
    %mul3A_20 = arith.mulf %mul3A_19, %dot_general3A_15 : vector<1024x1024xf32>
    %sub3A = arith.subf %add3A_18, %mul3A_20 : vector<1024x1024xf32>
    %reduce_min3A = arith.constant dense<0x7F800000> : vector<1024xf32>
    %reduce_min3A_21 = vector.multi_reduction <minimumf>, %sub3A, %reduce_min3A [1] : vector<1024x1024xf32> to vector<1024xf32>
    %iota3A = tpu.iota {dimensions = array<i32: 1>} : vector<1024x1024xi32>
    %broadcast_in_dim3A_22 = vector.shape_cast %reduce_min3A_21 : vector<1024xf32> to vector<1024x1xf32>
    %eq3A = vector.broadcast %broadcast_in_dim3A_22 : vector<1024x1xf32> to vector<1024x1024xf32>
    %eq3A_23 = arith.cmpf oeq, %sub3A, %eq3A : vector<1024x1024xf32>
    %jit3A = arith.constant 8192 : i32
    %broadcast_in_dim3A_24 = vector.broadcast %jit3A : i32 to vector<1024x1024xi32>
    %select_n3A = arith.select %eq3A_23, %iota3A, %broadcast_in_dim3A_24 : vector<1024x1024xi1>, vector<1024x1024xi32>
    %reduce_min3A_25 = arith.constant dense<2147483647> : vector<1024xi32>
    %reduce_min3A_26 = vector.multi_reduction <minsi>, %select_n3A, %reduce_min3A_25 [1] : vector<1024x1024xi32> to vector<1024xi32>
    %add3A_27 = arith.constant 0 : i32
    %add3A_28 = vector.broadcast %add3A_27 : i32 to vector<1024xi32>
    %add3A_29 = arith.addi %reduce_min3A_26, %add3A_28 : vector<1024xi32>
    %lt3A = arith.cmpf olt, %reduce_min3A_21, %broadcast_in_dim3A_5 : vector<1024xf32>
    %select_n3A_30 = arith.select %lt3A, %reduce_min3A_21, %broadcast_in_dim3A_5 : vector<1024xi1>, vector<1024xf32>
    %select_n3A_31 = arith.select %lt3A, %add3A_29, %broadcast_in_dim3A_7 : vector<1024xi1>, vector<1024xi32>
    %get3A_32 = arith.constant 1024 : index
    %get3A_33 = arith.constant 0 : index
    %get3A_34 = vector.load %arg3[%get3A_32, %get3A_33] : memref<8192x384xf32, #tpu.memory_space<vmem>>, vector<1024x384xf32>
    %get3A_35 = arith.constant 0 : index
    %get3A_36 = arith.constant 1024 : index
    %get3A_37 = vector.load %arg4[%get3A_35, %get3A_36] : memref<1x8192xf32, #tpu.memory_space<vmem>>, vector<1x1024xf32>
    %get3A_38 = vector.shape_cast %get3A_37 : vector<1x1024xf32> to vector<1024xf32>
    %dot_general3A_39 = arith.constant dense<0.000000e+00> : vector<1024x1024xf32>
    %dot_general3A_40 = tpu.matmul %get3A_1, %get3A_34, %dot_general3A_39 {dimension_numbers = #tpu.dot_dimension_numbers<[1], [1], [0], [0], [0, 0, 1, 0], [], []>, transpose_lhs_hint = false} : vector<1024x384xf32>, vector<1024x384xf32>, vector<1024x1024xf32> -> vector<1024x1024xf32>
    %broadcast_in_dim3A_41 = vector.shape_cast %get3A_38 : vector<1024xf32> to vector<1x1024xf32>
    %add3A_42 = vector.broadcast %get3A_4 : vector<1024x1xf32> to vector<1024x1024xf32>
    %add3A_43 = vector.broadcast %broadcast_in_dim3A_41 : vector<1x1024xf32> to vector<1024x1024xf32>
    %add3A_44 = arith.addf %add3A_42, %add3A_43 : vector<1024x1024xf32>
    %mul3A_45 = arith.constant 2.000000e+00 : f32
    %mul3A_46 = vector.broadcast %mul3A_45 : f32 to vector<1024x1024xf32>
    %mul3A_47 = arith.mulf %mul3A_46, %dot_general3A_40 : vector<1024x1024xf32>
    %sub3A_48 = arith.subf %add3A_44, %mul3A_47 : vector<1024x1024xf32>
    %reduce_min3A_49 = arith.constant dense<0x7F800000> : vector<1024xf32>
    %reduce_min3A_50 = vector.multi_reduction <minimumf>, %sub3A_48, %reduce_min3A_49 [1] : vector<1024x1024xf32> to vector<1024xf32>
    %iota3A_51 = tpu.iota {dimensions = array<i32: 1>} : vector<1024x1024xi32>
    %broadcast_in_dim3A_52 = vector.shape_cast %reduce_min3A_50 : vector<1024xf32> to vector<1024x1xf32>
    %eq3A_53 = vector.broadcast %broadcast_in_dim3A_52 : vector<1024x1xf32> to vector<1024x1024xf32>
    %eq3A_54 = arith.cmpf oeq, %sub3A_48, %eq3A_53 : vector<1024x1024xf32>
    %jit3A_55 = arith.constant 8192 : i32
    %broadcast_in_dim3A_56 = vector.broadcast %jit3A_55 : i32 to vector<1024x1024xi32>
    %select_n3A_57 = arith.select %eq3A_54, %iota3A_51, %broadcast_in_dim3A_56 : vector<1024x1024xi1>, vector<1024x1024xi32>
    %reduce_min3A_58 = arith.constant dense<2147483647> : vector<1024xi32>
    %reduce_min3A_59 = vector.multi_reduction <minsi>, %select_n3A_57, %reduce_min3A_58 [1] : vector<1024x1024xi32> to vector<1024xi32>
    %add3A_60 = arith.constant 1024 : i32
    %add3A_61 = vector.broadcast %add3A_60 : i32 to vector<1024xi32>
    %add3A_62 = arith.addi %reduce_min3A_59, %add3A_61 : vector<1024xi32>
    %lt3A_63 = arith.cmpf olt, %reduce_min3A_50, %select_n3A_30 : vector<1024xf32>
    %select_n3A_64 = arith.select %lt3A_63, %reduce_min3A_50, %select_n3A_30 : vector<1024xi1>, vector<1024xf32>
    %select_n3A_65 = arith.select %lt3A_63, %add3A_62, %select_n3A_31 : vector<1024xi1>, vector<1024xi32>
    %get3A_66 = arith.constant 2048 : index
    %get3A_67 = arith.constant 0 : index
    %get3A_68 = vector.load %arg3[%get3A_66, %get3A_67] : memref<8192x384xf32, #tpu.memory_space<vmem>>, vector<1024x384xf32>
    %get3A_69 = arith.constant 0 : index
    %get3A_70 = arith.constant 2048 : index
    %get3A_71 = vector.load %arg4[%get3A_69, %get3A_70] : memref<1x8192xf32, #tpu.memory_space<vmem>>, vector<1x1024xf32>
    %get3A_72 = vector.shape_cast %get3A_71 : vector<1x1024xf32> to vector<1024xf32>
    %dot_general3A_73 = arith.constant dense<0.000000e+00> : vector<1024x1024xf32>
    %dot_general3A_74 = tpu.matmul %get3A_1, %get3A_68, %dot_general3A_73 {dimension_numbers = #tpu.dot_dimension_numbers<[1], [1], [0], [0], [0, 0, 1, 0], [], []>, transpose_lhs_hint = false} : vector<1024x384xf32>, vector<1024x384xf32>, vector<1024x1024xf32> -> vector<1024x1024xf32>
    %broadcast_in_dim3A_75 = vector.shape_cast %get3A_72 : vector<1024xf32> to vector<1x1024xf32>
    %add3A_76 = vector.broadcast %get3A_4 : vector<1024x1xf32> to vector<1024x1024xf32>
    %add3A_77 = vector.broadcast %broadcast_in_dim3A_75 : vector<1x1024xf32> to vector<1024x1024xf32>
    %add3A_78 = arith.addf %add3A_76, %add3A_77 : vector<1024x1024xf32>
    %mul3A_79 = arith.constant 2.000000e+00 : f32
    %mul3A_80 = vector.broadcast %mul3A_79 : f32 to vector<1024x1024xf32>
    %mul3A_81 = arith.mulf %mul3A_80, %dot_general3A_74 : vector<1024x1024xf32>
    %sub3A_82 = arith.subf %add3A_78, %mul3A_81 : vector<1024x1024xf32>
    %reduce_min3A_83 = arith.constant dense<0x7F800000> : vector<1024xf32>
    %reduce_min3A_84 = vector.multi_reduction <minimumf>, %sub3A_82, %reduce_min3A_83 [1] : vector<1024x1024xf32> to vector<1024xf32>
    %iota3A_85 = tpu.iota {dimensions = array<i32: 1>} : vector<1024x1024xi32>
    %broadcast_in_dim3A_86 = vector.shape_cast %reduce_min3A_84 : vector<1024xf32> to vector<1024x1xf32>
    %eq3A_87 = vector.broadcast %broadcast_in_dim3A_86 : vector<1024x1xf32> to vector<1024x1024xf32>
    %eq3A_88 = arith.cmpf oeq, %sub3A_82, %eq3A_87 : vector<1024x1024xf32>
    %jit3A_89 = arith.constant 8192 : i32
    %broadcast_in_dim3A_90 = vector.broadcast %jit3A_89 : i32 to vector<1024x1024xi32>
    %select_n3A_91 = arith.select %eq3A_88, %iota3A_85, %broadcast_in_dim3A_90 : vector<1024x1024xi1>, vector<1024x1024xi32>
    %reduce_min3A_92 = arith.constant dense<2147483647> : vector<1024xi32>
    %reduce_min3A_93 = vector.multi_reduction <minsi>, %select_n3A_91, %reduce_min3A_92 [1] : vector<1024x1024xi32> to vector<1024xi32>
    %add3A_94 = arith.constant 2048 : i32
    %add3A_95 = vector.broadcast %add3A_94 : i32 to vector<1024xi32>
    %add3A_96 = arith.addi %reduce_min3A_93, %add3A_95 : vector<1024xi32>
    %lt3A_97 = arith.cmpf olt, %reduce_min3A_84, %select_n3A_64 : vector<1024xf32>
    %select_n3A_98 = arith.select %lt3A_97, %reduce_min3A_84, %select_n3A_64 : vector<1024xi1>, vector<1024xf32>
    %select_n3A_99 = arith.select %lt3A_97, %add3A_96, %select_n3A_65 : vector<1024xi1>, vector<1024xi32>
    %get3A_100 = arith.constant 3072 : index
    %get3A_101 = arith.constant 0 : index
    %get3A_102 = vector.load %arg3[%get3A_100, %get3A_101] : memref<8192x384xf32, #tpu.memory_space<vmem>>, vector<1024x384xf32>
    %get3A_103 = arith.constant 0 : index
    %get3A_104 = arith.constant 3072 : index
    %get3A_105 = vector.load %arg4[%get3A_103, %get3A_104] : memref<1x8192xf32, #tpu.memory_space<vmem>>, vector<1x1024xf32>
    %get3A_106 = vector.shape_cast %get3A_105 : vector<1x1024xf32> to vector<1024xf32>
    %dot_general3A_107 = arith.constant dense<0.000000e+00> : vector<1024x1024xf32>
    %dot_general3A_108 = tpu.matmul %get3A_1, %get3A_102, %dot_general3A_107 {dimension_numbers = #tpu.dot_dimension_numbers<[1], [1], [0], [0], [0, 0, 1, 0], [], []>, transpose_lhs_hint = false} : vector<1024x384xf32>, vector<1024x384xf32>, vector<1024x1024xf32> -> vector<1024x1024xf32>
    %broadcast_in_dim3A_109 = vector.shape_cast %get3A_106 : vector<1024xf32> to vector<1x1024xf32>
    %add3A_110 = vector.broadcast %get3A_4 : vector<1024x1xf32> to vector<1024x1024xf32>
    %add3A_111 = vector.broadcast %broadcast_in_dim3A_109 : vector<1x1024xf32> to vector<1024x1024xf32>
    %add3A_112 = arith.addf %add3A_110, %add3A_111 : vector<1024x1024xf32>
    %mul3A_113 = arith.constant 2.000000e+00 : f32
    %mul3A_114 = vector.broadcast %mul3A_113 : f32 to vector<1024x1024xf32>
    %mul3A_115 = arith.mulf %mul3A_114, %dot_general3A_108 : vector<1024x1024xf32>
    %sub3A_116 = arith.subf %add3A_112, %mul3A_115 : vector<1024x1024xf32>
    %reduce_min3A_117 = arith.constant dense<0x7F800000> : vector<1024xf32>
    %reduce_min3A_118 = vector.multi_reduction <minimumf>, %sub3A_116, %reduce_min3A_117 [1] : vector<1024x1024xf32> to vector<1024xf32>
    %iota3A_119 = tpu.iota {dimensions = array<i32: 1>} : vector<1024x1024xi32>
    %broadcast_in_dim3A_120 = vector.shape_cast %reduce_min3A_118 : vector<1024xf32> to vector<1024x1xf32>
    %eq3A_121 = vector.broadcast %broadcast_in_dim3A_120 : vector<1024x1xf32> to vector<1024x1024xf32>
    %eq3A_122 = arith.cmpf oeq, %sub3A_116, %eq3A_121 : vector<1024x1024xf32>
    %jit3A_123 = arith.constant 8192 : i32
    %broadcast_in_dim3A_124 = vector.broadcast %jit3A_123 : i32 to vector<1024x1024xi32>
    %select_n3A_125 = arith.select %eq3A_122, %iota3A_119, %broadcast_in_dim3A_124 : vector<1024x1024xi1>, vector<1024x1024xi32>
    %reduce_min3A_126 = arith.constant dense<2147483647> : vector<1024xi32>
    %reduce_min3A_127 = vector.multi_reduction <minsi>, %select_n3A_125, %reduce_min3A_126 [1] : vector<1024x1024xi32> to vector<1024xi32>
    %add3A_128 = arith.constant 3072 : i32
    %add3A_129 = vector.broadcast %add3A_128 : i32 to vector<1024xi32>
    %add3A_130 = arith.addi %reduce_min3A_127, %add3A_129 : vector<1024xi32>
    %lt3A_131 = arith.cmpf olt, %reduce_min3A_118, %select_n3A_98 : vector<1024xf32>
    %select_n3A_132 = arith.select %lt3A_131, %reduce_min3A_118, %select_n3A_98 : vector<1024xi1>, vector<1024xf32>
    %select_n3A_133 = arith.select %lt3A_131, %add3A_130, %select_n3A_99 : vector<1024xi1>, vector<1024xi32>
    %get3A_134 = arith.constant 4096 : index
    %get3A_135 = arith.constant 0 : index
    %get3A_136 = vector.load %arg3[%get3A_134, %get3A_135] : memref<8192x384xf32, #tpu.memory_space<vmem>>, vector<1024x384xf32>
    %get3A_137 = arith.constant 0 : index
    %get3A_138 = arith.constant 4096 : index
    %get3A_139 = vector.load %arg4[%get3A_137, %get3A_138] : memref<1x8192xf32, #tpu.memory_space<vmem>>, vector<1x1024xf32>
    %get3A_140 = vector.shape_cast %get3A_139 : vector<1x1024xf32> to vector<1024xf32>
    %dot_general3A_141 = arith.constant dense<0.000000e+00> : vector<1024x1024xf32>
    %dot_general3A_142 = tpu.matmul %get3A_1, %get3A_136, %dot_general3A_141 {dimension_numbers = #tpu.dot_dimension_numbers<[1], [1], [0], [0], [0, 0, 1, 0], [], []>, transpose_lhs_hint = false} : vector<1024x384xf32>, vector<1024x384xf32>, vector<1024x1024xf32> -> vector<1024x1024xf32>
    %broadcast_in_dim3A_143 = vector.shape_cast %get3A_140 : vector<1024xf32> to vector<1x1024xf32>
    %add3A_144 = vector.broadcast %get3A_4 : vector<1024x1xf32> to vector<1024x1024xf32>
    %add3A_145 = vector.broadcast %broadcast_in_dim3A_143 : vector<1x1024xf32> to vector<1024x1024xf32>
    %add3A_146 = arith.addf %add3A_144, %add3A_145 : vector<1024x1024xf32>
    %mul3A_147 = arith.constant 2.000000e+00 : f32
    %mul3A_148 = vector.broadcast %mul3A_147 : f32 to vector<1024x1024xf32>
    %mul3A_149 = arith.mulf %mul3A_148, %dot_general3A_142 : vector<1024x1024xf32>
    %sub3A_150 = arith.subf %add3A_146, %mul3A_149 : vector<1024x1024xf32>
    %reduce_min3A_151 = arith.constant dense<0x7F800000> : vector<1024xf32>
    %reduce_min3A_152 = vector.multi_reduction <minimumf>, %sub3A_150, %reduce_min3A_151 [1] : vector<1024x1024xf32> to vector<1024xf32>
    %iota3A_153 = tpu.iota {dimensions = array<i32: 1>} : vector<1024x1024xi32>
    %broadcast_in_dim3A_154 = vector.shape_cast %reduce_min3A_152 : vector<1024xf32> to vector<1024x1xf32>
    %eq3A_155 = vector.broadcast %broadcast_in_dim3A_154 : vector<1024x1xf32> to vector<1024x1024xf32>
    %eq3A_156 = arith.cmpf oeq, %sub3A_150, %eq3A_155 : vector<1024x1024xf32>
    %jit3A_157 = arith.constant 8192 : i32
    %broadcast_in_dim3A_158 = vector.broadcast %jit3A_157 : i32 to vector<1024x1024xi32>
    %select_n3A_159 = arith.select %eq3A_156, %iota3A_153, %broadcast_in_dim3A_158 : vector<1024x1024xi1>, vector<1024x1024xi32>
    %reduce_min3A_160 = arith.constant dense<2147483647> : vector<1024xi32>
    %reduce_min3A_161 = vector.multi_reduction <minsi>, %select_n3A_159, %reduce_min3A_160 [1] : vector<1024x1024xi32> to vector<1024xi32>
    %add3A_162 = arith.constant 4096 : i32
    %add3A_163 = vector.broadcast %add3A_162 : i32 to vector<1024xi32>
    %add3A_164 = arith.addi %reduce_min3A_161, %add3A_163 : vector<1024xi32>
    %lt3A_165 = arith.cmpf olt, %reduce_min3A_152, %select_n3A_132 : vector<1024xf32>
    %select_n3A_166 = arith.select %lt3A_165, %reduce_min3A_152, %select_n3A_132 : vector<1024xi1>, vector<1024xf32>
    %select_n3A_167 = arith.select %lt3A_165, %add3A_164, %select_n3A_133 : vector<1024xi1>, vector<1024xi32>
    %get3A_168 = arith.constant 5120 : index
    %get3A_169 = arith.constant 0 : index
    %get3A_170 = vector.load %arg3[%get3A_168, %get3A_169] : memref<8192x384xf32, #tpu.memory_space<vmem>>, vector<1024x384xf32>
    %get3A_171 = arith.constant 0 : index
    %get3A_172 = arith.constant 5120 : index
    %get3A_173 = vector.load %arg4[%get3A_171, %get3A_172] : memref<1x8192xf32, #tpu.memory_space<vmem>>, vector<1x1024xf32>
    %get3A_174 = vector.shape_cast %get3A_173 : vector<1x1024xf32> to vector<1024xf32>
    %dot_general3A_175 = arith.constant dense<0.000000e+00> : vector<1024x1024xf32>
    %dot_general3A_176 = tpu.matmul %get3A_1, %get3A_170, %dot_general3A_175 {dimension_numbers = #tpu.dot_dimension_numbers<[1], [1], [0], [0], [0, 0, 1, 0], [], []>, transpose_lhs_hint = false} : vector<1024x384xf32>, vector<1024x384xf32>, vector<1024x1024xf32> -> vector<1024x1024xf32>
    %broadcast_in_dim3A_177 = vector.shape_cast %get3A_174 : vector<1024xf32> to vector<1x1024xf32>
    %add3A_178 = vector.broadcast %get3A_4 : vector<1024x1xf32> to vector<1024x1024xf32>
    %add3A_179 = vector.broadcast %broadcast_in_dim3A_177 : vector<1x1024xf32> to vector<1024x1024xf32>
    %add3A_180 = arith.addf %add3A_178, %add3A_179 : vector<1024x1024xf32>
    %mul3A_181 = arith.constant 2.000000e+00 : f32
    %mul3A_182 = vector.broadcast %mul3A_181 : f32 to vector<1024x1024xf32>
    %mul3A_183 = arith.mulf %mul3A_182, %dot_general3A_176 : vector<1024x1024xf32>
    %sub3A_184 = arith.subf %add3A_180, %mul3A_183 : vector<1024x1024xf32>
    %reduce_min3A_185 = arith.constant dense<0x7F800000> : vector<1024xf32>
    %reduce_min3A_186 = vector.multi_reduction <minimumf>, %sub3A_184, %reduce_min3A_185 [1] : vector<1024x1024xf32> to vector<1024xf32>
    %iota3A_187 = tpu.iota {dimensions = array<i32: 1>} : vector<1024x1024xi32>
    %broadcast_in_dim3A_188 = vector.shape_cast %reduce_min3A_186 : vector<1024xf32> to vector<1024x1xf32>
    %eq3A_189 = vector.broadcast %broadcast_in_dim3A_188 : vector<1024x1xf32> to vector<1024x1024xf32>
    %eq3A_190 = arith.cmpf oeq, %sub3A_184, %eq3A_189 : vector<1024x1024xf32>
    %jit3A_191 = arith.constant 8192 : i32
    %broadcast_in_dim3A_192 = vector.broadcast %jit3A_191 : i32 to vector<1024x1024xi32>
    %select_n3A_193 = arith.select %eq3A_190, %iota3A_187, %broadcast_in_dim3A_192 : vector<1024x1024xi1>, vector<1024x1024xi32>
    %reduce_min3A_194 = arith.constant dense<2147483647> : vector<1024xi32>
    %reduce_min3A_195 = vector.multi_reduction <minsi>, %select_n3A_193, %reduce_min3A_194 [1] : vector<1024x1024xi32> to vector<1024xi32>
    %add3A_196 = arith.constant 5120 : i32
    %add3A_197 = vector.broadcast %add3A_196 : i32 to vector<1024xi32>
    %add3A_198 = arith.addi %reduce_min3A_195, %add3A_197 : vector<1024xi32>
    %lt3A_199 = arith.cmpf olt, %reduce_min3A_186, %select_n3A_166 : vector<1024xf32>
    %select_n3A_200 = arith.select %lt3A_199, %reduce_min3A_186, %select_n3A_166 : vector<1024xi1>, vector<1024xf32>
    %select_n3A_201 = arith.select %lt3A_199, %add3A_198, %select_n3A_167 : vector<1024xi1>, vector<1024xi32>
    %get3A_202 = arith.constant 6144 : index
    %get3A_203 = arith.constant 0 : index
    %get3A_204 = vector.load %arg3[%get3A_202, %get3A_203] : memref<8192x384xf32, #tpu.memory_space<vmem>>, vector<1024x384xf32>
    %get3A_205 = arith.constant 0 : index
    %get3A_206 = arith.constant 6144 : index
    %get3A_207 = vector.load %arg4[%get3A_205, %get3A_206] : memref<1x8192xf32, #tpu.memory_space<vmem>>, vector<1x1024xf32>
    %get3A_208 = vector.shape_cast %get3A_207 : vector<1x1024xf32> to vector<1024xf32>
    %dot_general3A_209 = arith.constant dense<0.000000e+00> : vector<1024x1024xf32>
    %dot_general3A_210 = tpu.matmul %get3A_1, %get3A_204, %dot_general3A_209 {dimension_numbers = #tpu.dot_dimension_numbers<[1], [1], [0], [0], [0, 0, 1, 0], [], []>, transpose_lhs_hint = false} : vector<1024x384xf32>, vector<1024x384xf32>, vector<1024x1024xf32> -> vector<1024x1024xf32>
    %broadcast_in_dim3A_211 = vector.shape_cast %get3A_208 : vector<1024xf32> to vector<1x1024xf32>
    %add3A_212 = vector.broadcast %get3A_4 : vector<1024x1xf32> to vector<1024x1024xf32>
    %add3A_213 = vector.broadcast %broadcast_in_dim3A_211 : vector<1x1024xf32> to vector<1024x1024xf32>
    %add3A_214 = arith.addf %add3A_212, %add3A_213 : vector<1024x1024xf32>
    %mul3A_215 = arith.constant 2.000000e+00 : f32
    %mul3A_216 = vector.broadcast %mul3A_215 : f32 to vector<1024x1024xf32>
    %mul3A_217 = arith.mulf %mul3A_216, %dot_general3A_210 : vector<1024x1024xf32>
    %sub3A_218 = arith.subf %add3A_214, %mul3A_217 : vector<1024x1024xf32>
    %reduce_min3A_219 = arith.constant dense<0x7F800000> : vector<1024xf32>
    %reduce_min3A_220 = vector.multi_reduction <minimumf>, %sub3A_218, %reduce_min3A_219 [1] : vector<1024x1024xf32> to vector<1024xf32>
    %iota3A_221 = tpu.iota {dimensions = array<i32: 1>} : vector<1024x1024xi32>
    %broadcast_in_dim3A_222 = vector.shape_cast %reduce_min3A_220 : vector<1024xf32> to vector<1024x1xf32>
    %eq3A_223 = vector.broadcast %broadcast_in_dim3A_222 : vector<1024x1xf32> to vector<1024x1024xf32>
    %eq3A_224 = arith.cmpf oeq, %sub3A_218, %eq3A_223 : vector<1024x1024xf32>
    %jit3A_225 = arith.constant 8192 : i32
    %broadcast_in_dim3A_226 = vector.broadcast %jit3A_225 : i32 to vector<1024x1024xi32>
    %select_n3A_227 = arith.select %eq3A_224, %iota3A_221, %broadcast_in_dim3A_226 : vector<1024x1024xi1>, vector<1024x1024xi32>
    %reduce_min3A_228 = arith.constant dense<2147483647> : vector<1024xi32>
    %reduce_min3A_229 = vector.multi_reduction <minsi>, %select_n3A_227, %reduce_min3A_228 [1] : vector<1024x1024xi32> to vector<1024xi32>
    %add3A_230 = arith.constant 6144 : i32
    %add3A_231 = vector.broadcast %add3A_230 : i32 to vector<1024xi32>
    %add3A_232 = arith.addi %reduce_min3A_229, %add3A_231 : vector<1024xi32>
    %lt3A_233 = arith.cmpf olt, %reduce_min3A_220, %select_n3A_200 : vector<1024xf32>
    %select_n3A_234 = arith.select %lt3A_233, %reduce_min3A_220, %select_n3A_200 : vector<1024xi1>, vector<1024xf32>
    %select_n3A_235 = arith.select %lt3A_233, %add3A_232, %select_n3A_201 : vector<1024xi1>, vector<1024xi32>
    %get3A_236 = arith.constant 7168 : index
    %get3A_237 = arith.constant 0 : index
    %get3A_238 = vector.load %arg3[%get3A_236, %get3A_237] : memref<8192x384xf32, #tpu.memory_space<vmem>>, vector<1024x384xf32>
    %get3A_239 = arith.constant 0 : index
    %get3A_240 = arith.constant 7168 : index
    %get3A_241 = vector.load %arg4[%get3A_239, %get3A_240] : memref<1x8192xf32, #tpu.memory_space<vmem>>, vector<1x1024xf32>
    %get3A_242 = vector.shape_cast %get3A_241 : vector<1x1024xf32> to vector<1024xf32>
    %dot_general3A_243 = arith.constant dense<0.000000e+00> : vector<1024x1024xf32>
    %dot_general3A_244 = tpu.matmul %get3A_1, %get3A_238, %dot_general3A_243 {dimension_numbers = #tpu.dot_dimension_numbers<[1], [1], [0], [0], [0, 0, 1, 0], [], []>, transpose_lhs_hint = false} : vector<1024x384xf32>, vector<1024x384xf32>, vector<1024x1024xf32> -> vector<1024x1024xf32>
    %broadcast_in_dim3A_245 = vector.shape_cast %get3A_242 : vector<1024xf32> to vector<1x1024xf32>
    %add3A_246 = vector.broadcast %get3A_4 : vector<1024x1xf32> to vector<1024x1024xf32>
    %add3A_247 = vector.broadcast %broadcast_in_dim3A_245 : vector<1x1024xf32> to vector<1024x1024xf32>
    %add3A_248 = arith.addf %add3A_246, %add3A_247 : vector<1024x1024xf32>
    %mul3A_249 = arith.constant 2.000000e+00 : f32
    %mul3A_250 = vector.broadcast %mul3A_249 : f32 to vector<1024x1024xf32>
    %mul3A_251 = arith.mulf %mul3A_250, %dot_general3A_244 : vector<1024x1024xf32>
    %sub3A_252 = arith.subf %add3A_248, %mul3A_251 : vector<1024x1024xf32>
    %reduce_min3A_253 = arith.constant dense<0x7F800000> : vector<1024xf32>
    %reduce_min3A_254 = vector.multi_reduction <minimumf>, %sub3A_252, %reduce_min3A_253 [1] : vector<1024x1024xf32> to vector<1024xf32>
    %iota3A_255 = tpu.iota {dimensions = array<i32: 1>} : vector<1024x1024xi32>
    %broadcast_in_dim3A_256 = vector.shape_cast %reduce_min3A_254 : vector<1024xf32> to vector<1024x1xf32>
    %eq3A_257 = vector.broadcast %broadcast_in_dim3A_256 : vector<1024x1xf32> to vector<1024x1024xf32>
    %eq3A_258 = arith.cmpf oeq, %sub3A_252, %eq3A_257 : vector<1024x1024xf32>
    %jit3A_259 = arith.constant 8192 : i32
    %broadcast_in_dim3A_260 = vector.broadcast %jit3A_259 : i32 to vector<1024x1024xi32>
    %select_n3A_261 = arith.select %eq3A_258, %iota3A_255, %broadcast_in_dim3A_260 : vector<1024x1024xi1>, vector<1024x1024xi32>
    %reduce_min3A_262 = arith.constant dense<2147483647> : vector<1024xi32>
    %reduce_min3A_263 = vector.multi_reduction <minsi>, %select_n3A_261, %reduce_min3A_262 [1] : vector<1024x1024xi32> to vector<1024xi32>
    %add3A_264 = arith.constant 7168 : i32
    %add3A_265 = vector.broadcast %add3A_264 : i32 to vector<1024xi32>
    %add3A_266 = arith.addi %reduce_min3A_263, %add3A_265 : vector<1024xi32>
    %lt3A_267 = arith.cmpf olt, %reduce_min3A_254, %select_n3A_234 : vector<1024xf32>
    %select_n3A_268 = arith.select %lt3A_267, %add3A_266, %select_n3A_235 : vector<1024xi1>, vector<1024xi32>
    %swap3A = arith.constant 0 : index
    %swap3A_269 = arith.constant 0 : index
    %swap3A_270 = arith.constant 0 : index
    %swap3A_271 = vector.load %arg5[%swap3A, %swap3A_269, %swap3A_270] : memref<1x1x1024xi32, #tpu.memory_space<vmem>>, vector<1x1x1024xi32>
    %swap3A_272 = vector.shape_cast %swap3A_271 : vector<1x1x1024xi32> to vector<1024xi32>
    %swap3A_273 = vector.shape_cast %select_n3A_268 : vector<1024xi32> to vector<1x1x1024xi32>
    tpu.vector_store %arg5[%swap3A, %swap3A_269, %swap3A_270], %swap3A_273 {strides = array<i32>} : memref<1x1x1024xi32, #tpu.memory_space<vmem>>, vector<1x1x1024xi32>,
    return
  }
  func.func @transform_0(%arg0: i32) -> (i32, i32) {
    %c0_i32 = arith.constant 0 : i32
    %c0_i32_0 = arith.constant 0 : i32
    return %arg0, %c0_i32 : i32, i32
  }
  func.func @transform_1(%arg0: i32) -> (i32, i32) {
    %c0_i32 = arith.constant 0 : i32
    %c0_i32_0 = arith.constant 0 : i32
    return %arg0, %c0_i32 : i32, i32
  }
  func.func @transform_2(%arg0: i32) -> (i32, i32) {
    %c0_i32 = arith.constant 0 : i32
    %c0_i32_0 = arith.constant 0 : i32
    %c0_i32_1 = arith.constant 0 : i32
    return %c0_i32, %c0_i32_0 : i32, i32
  }
  func.func @transform_3(%arg0: i32) -> (i32, i32) {
    %c0_i32 = arith.constant 0 : i32
    %c0_i32_0 = arith.constant 0 : i32
    %c0_i32_1 = arith.constant 0 : i32
    return %c0_i32, %c0_i32_0 : i32, i32
  }
  func.func @transform_4(%arg0: i32) -> (i32, i32, i32) {
    %c0_i32 = arith.constant 0 : i32
    %c0_i32_0 = arith.constant 0 : i32
    %c0_i32_1 = arith.constant 0 : i32
    return %arg0, %c0_i32, %c0_i32_0 : i32, i32, i32
  }
}

module attributes {stable_mosaic.version = 14 : i64} {
  func.func @_head_kernel(%arg0: i32, %arg1: memref<8x1024x384xf32, #tpu.memory_space<vmem>>, %arg2: memref<384x8xf32, #tpu.memory_space<vmem>>, %arg3: memref<1x8xf32, #tpu.memory_space<vmem>>, %arg4: memref<8x8xf32, #tpu.memory_space<vmem>>) attributes {dimension_semantics = [#tpu.dimension_semantics<arbitrary>], iteration_bounds = array<i64: 1>, scalar_prefetch = 0 : i64, scratch_operands = 0 : i64, tpu.core_type = #tpu.core_type<tc>, window_params = [{pipeline_mode = #tpu.pipeline_mode<synchronous>, transform_indices = @transform_0, window_bounds = array<i64: 8, 1024, 384>}, {pipeline_mode = #tpu.pipeline_mode<synchronous>, transform_indices = @transform_1, window_bounds = array<i64: 384, 8>}, {pipeline_mode = #tpu.pipeline_mode<synchronous>, transform_indices = @transform_2, window_bounds = array<i64: 1, 8>}, {pipeline_mode = #tpu.pipeline_mode<synchronous>, transform_indices = @transform_3, window_bounds = array<i64: 8, 8>}]} {
    %get3A = arith.constant 0 : index
    %get3A_0 = arith.constant 0 : index
    %get3A_1 = arith.constant 0 : index
    %get3A_2 = vector.load %arg1[%get3A, %get3A_0, %get3A_1] : memref<8x1024x384xf32, #tpu.memory_space<vmem>>, vector<8x1024x384xf32>
    %reduce_sum3A = arith.constant dense<0.000000e+00> : vector<8x384xf32>
    %reduce_sum3A_3 = vector.multi_reduction <add>, %get3A_2, %reduce_sum3A [1] : vector<8x1024x384xf32> to vector<8x384xf32>
    %div3A = arith.constant 1.024000e+03 : f32
    %div3A_4 = vector.broadcast %div3A : f32 to vector<8x384xf32>
    %div3A_5 = arith.divf %reduce_sum3A_3, %div3A_4 : vector<8x384xf32>
    %get3A_6 = arith.constant 0 : index
    %get3A_7 = arith.constant 0 : index
    %get3A_8 = vector.load %arg2[%get3A_6, %get3A_7] : memref<384x8xf32, #tpu.memory_space<vmem>>, vector<384x8xf32>
    %dot_general3A = arith.constant dense<0.000000e+00> : vector<8x8xf32>
    %dot_general3A_9 = tpu.matmul %div3A_5, %get3A_8, %dot_general3A {dimension_numbers = #tpu.dot_dimension_numbers<[1], [0], [0], [1], [0, 0, 1, 1], [], []>, transpose_lhs_hint = false} : vector<8x384xf32>, vector<384x8xf32>, vector<8x8xf32> -> vector<8x8xf32>
    %get3A_10 = arith.constant 0 : index
    %get3A_11 = arith.constant 0 : index
    %get3A_12 = vector.load %arg3[%get3A_10, %get3A_11] : memref<1x8xf32, #tpu.memory_space<vmem>>, vector<1x8xf32>
    %add3A = vector.broadcast %get3A_12 : vector<1x8xf32> to vector<8x8xf32>
    %add3A_13 = arith.addf %dot_general3A_9, %add3A : vector<8x8xf32>
    %swap3A = arith.constant 0 : index
    %swap3A_14 = arith.constant 0 : index
    %swap3A_15 = vector.load %arg4[%swap3A, %swap3A_14] : memref<8x8xf32, #tpu.memory_space<vmem>>, vector<8x8xf32>
    tpu.vector_store %arg4[%swap3A, %swap3A_14], %add3A_13 {strides = array<i32>} : memref<8x8xf32, #tpu.memory_space<vmem>>, vector<8x8xf32>,
    return
  }
  func.func @transform_0(%arg0: i32) -> (i32, i32, i32) {
    %c0_i32 = arith.constant 0 : i32
    %c0_i32_0 = arith.constant 0 : i32
    %c0_i32_1 = arith.constant 0 : i32
    %c0_i32_2 = arith.constant 0 : i32
    return %c0_i32, %c0_i32_0, %c0_i32_1 : i32, i32, i32
  }
  func.func @transform_1(%arg0: i32) -> (i32, i32) {
    %c0_i32 = arith.constant 0 : i32
    %c0_i32_0 = arith.constant 0 : i32
    %c0_i32_1 = arith.constant 0 : i32
    return %c0_i32, %c0_i32_0 : i32, i32
  }
  func.func @transform_2(%arg0: i32) -> (i32, i32) {
    %c0_i32 = arith.constant 0 : i32
    %c0_i32_0 = arith.constant 0 : i32
    %c0_i32_1 = arith.constant 0 : i32
    return %c0_i32, %c0_i32_0 : i32, i32
  }
  func.func @transform_3(%arg0: i32) -> (i32, i32) {
    %c0_i32 = arith.constant 0 : i32
    %c0_i32_0 = arith.constant 0 : i32
    %c0_i32_1 = arith.constant 0 : i32
    return %c0_i32, %c0_i32_0 : i32, i32
  }
}

</mosaic_0001>

<sc_bundles>
// kernel: kernel.5.cloned.1.call-start
scs
__scs_entry_jumppad:
0x0: {  	(pc) =	sbr.rel $0x88, $3  }
0x1: {  	(tag) =	ssettag $0x0;
	lr =	simm.s32 $0x1  }
0x2: {  	[smem:$0x3F8A] =	sst lr;
	_ =	strace $0xD0000000  }
0x3: {  	_ = 	snop  }
0x4: {  	_ = 	snop  }
0x5: {  	_ = 	snop  }
0x6: {  	_ = 	snop  }
0x7: {  	_ = 	snop  }
__scs_overlays_trampoline_lowered:
0x8: {  	[smem:$0x3F99] =	sst s0  }
0x9: {  	[smem:$0x3F9A] =	sst s1  }
0xa: {  	[smem:$0x3F9B] =	sst s2  }
0xb: {  	[smem:$0x3F9C] =	sst s3  }
0xc: {  	[smem:$0x3F9D] =	sst s4  }
0xd: {  	[smem:$0x3F9E] =	sst s5  }
0xe: {  	[smem:$0x3F9F] =	sst s6  }
0xf: {  	[smem:$0x3FA0] =	sst s7  }
0x10: {  	[smem:$0x3FA1] =	sst s8  }
0x11: {  	[smem:$0x3FA2] =	sst s9;
	s0 =	simm.s32 @!p0 $0x0  }
0x12: {  	s1 =	sld [smem:$0x3F88];
	s0 =	simm.s32 @p0 $0x1  }
0x13: {  	[smem:$0x3FA3] =	sst s0;
	s0 =	simm.s32 @!p1 $0x0  }
0x14: {  	s2 =	sld [smem:$0x3F87];
	s0 =	simm.s32 @p1 $0x1  }
0x15: {  	[smem:$0x3FA4] =	sst s0;
	s0 =	simm.s32 @!p2 $0x0  }
0x16: {  	s3 =	sld [smem:$0x3FDB];
	s0 =	simm.s32 @p2 $0x1  }
0x17: {  	s4 =	simm.s32 $0x1BF5;
	[smem:$0x3FA6] =	sst s0  }
0x18: {  	s0 =	sld [smem:$0x3F89];
	_ =	swait.ge [sflag:s4], $0x0  }
0x19: {  	s7 =	sld [smem:$0x3F8A]  }
0x1a: {  	s8 =	sadd.s32 $0xFFFFE003, lr  }
0x1b: {  	s9 =	sadd.s32 $0xFFFFFEF7, lr;
	s5 =	simm.s32 $0xFFFFFFFF;
	p2 =	slt.u32 s8, $0xFFFFF086  }
0x1c: {  	p1 =	slt.u32 s9, $0xF7A;
	s5 =	simm.s32 @!p2 $0x0  }
0x1d: {  	s5 =	simm.s32 @p1 $0x1;
	p0 =	seq.s32 s7, s2  }
0x1e: {  	s7 =	smul.u32 @!p0 $0xF7A, s2;
	p2 =	seq.s32 @!p0 s5, $0x0  }
0x1f: {  	s9 =	smul.u32 $0xF7A, s1;
	s8 =	simm.s32 @!p0 $0x1BF5;
	p2 =	por !p2, p0  }
0x20: {  	[sflag:s8] =	ssyncset.s32 @!p0 $0xFFFFF086;
	s6 =	sadd.s32 @!p0 s3, s7;
	s7 =	simm.s32 @!p0 $0x108  }
0x21: {  	s3 =	sadd.s32 s3, s9;
	s6 =	sadd.s32 @!p0 $0x88, s6;
	s7 =	simm.s32 @p2 $0x1082  }
0x22: {  	[simem:s7], [sflag:s8] =	dma.local @!p0 [hbm:s6], $0xF7A  }
0x23: {  	s9 =	sor.u32 $0xD0000000, s2;
	s6 =	simm.s32 $0x108;
	_ =	swait.ge @!p0 [sflag:s8], $0x0  }
0x24: {  	s3 =	sadd.s32 $0x88, s3;
	s6 =	simm.s32 @!p1 $0x1082;
	[sflag:s4] =	ssyncset.s32 $0xFFFFF086  }
0x25: {  	[simem:s6], [sflag:s4] =	dma.local [hbm:s3], $0xF7A  }
0x26: {  	[smem:$0x3F8A] =	sst s1;
	(tag) =	ssettag s2;
	_ =	strace s9  }
0x27: {  	s1 =	sld [smem:$0x3F9A]  }
0x28: {  	s2 =	sld [smem:$0x3F9B]  }
0x29: {  	s4 =	sld [smem:$0x3F9D]  }
0x2a: {  	p0 =	seq.s32 s5, $0x0;
	s5 =	sld [smem:$0x3F9E]  }
0x2b: {  	s6 =	sld [smem:$0x3F9F]  }
0x2c: {  	s7 =	sld [smem:$0x3FA0]  }
0x2d: {  	s3 =	simm.s32 $0x108;
	s8 =	sld [smem:$0x3FA1]  }
0x2e: {  	s3 =	simm.s32 @!p0 $0x1082;
	s9 =	sld [smem:$0x3FA2]  }
0x2f: {  	lr =	sadd.s32 s0, s3;
	s0 =	sld [smem:$0x3F99]  }
0x30: {  	s3 =	sld [smem:$0x3F9C]  }
0x31: {  	[smem:$0x3FA5] =	sst s10  }
0x32: {  	s10 =	sld [smem:$0x3FA3];
	_ =	sdelay $0x3  }
0x33: {  	p0 =	seq.s32 s10, $0x1;
	s10 =	sld [smem:$0x3FA5];
	_ =	sdelay $0x3  }
0x34: {  	[smem:$0x3FA5] =	sst s10  }
0x35: {  	s10 =	sld [smem:$0x3FA4];
	_ =	sdelay $0x3  }
0x36: {  	p1 =	seq.s32 s10, $0x1;
	s10 =	sld [smem:$0x3FA5];
	_ =	sdelay $0x3  }
0x37: {  	[smem:$0x3FA5] =	sst s10  }
0x38: {  	s10 =	sld [smem:$0x3FA6]  }
0x39: {  	_ = 	snop;
	(pc) =	sbr.ind lr, $3  }
0x3a: {  	_ = 	snop  }
0x3b: {  	_ = 	snop  }
0x3c: {  	p2 =	seq.s32 s10, $0x1;
	s10 =	sld [smem:$0x3FA5]  }
0x3d: {  	_ =	shalt  }
0x3e: {  	_ =	shalt  }
0x3f: {  	_ =	shalt  }
0x40: {  	_ =	shalt  }
0x41: {  	_ =	shalt  }
0x42: {  	_ =	shalt  }
0x43: {  	_ =	shalt  }
0x44: {  	_ =	shalt  }
0x45: {  	_ =	shalt  }
0x46: {  	_ =	shalt  }
0x47: {  	_ =	shalt  }
0x48: {  	_ =	shalt  }
0x49: {  	_ =	shalt  }
0x4a: {  	_ =	shalt  }
0x4b: {  	_ =	shalt  }
0x4c: {  	_ =	shalt  }
0x4d: {  	_ =	shalt  }
0x4e: {  	_ =	shalt  }
0x4f: {  	_ =	shalt  }
0x50: {  	_ =	shalt  }
0x51: {  	_ =	shalt  }
0x52: {  	_ =	shalt  }
0x53: {  	_ =	shalt  }
0x54: {  	_ =	shalt  }
0x55: {  	_ =	shalt  }
0x56: {  	_ =	shalt  }
0x57: {  	_ =	shalt  }
0x58: {  	_ =	shalt  }
0x59: {  	_ =	shalt  }
0x5a: {  	_ =	shalt  }
0x5b: {  	_ =	shalt  }
0x5c: {  	_ =	shalt  }
0x5d: {  	_ =	shalt  }
0x5e: {  	_ =	shalt  }
0x5f: {  	_ =	shalt  }
0x60: {  	_ =	shalt  }
0x61: {  	_ =	shalt  }
0x62: {  	_ =	shalt  }
0x63: {  	_ =	shalt  }
0x64: {  	_ =	shalt  }
0x65: {  	_ =	shalt  }
0x66: {  	_ =	shalt  }
0x67: {  	_ =	shalt  }
0x68: {  	_ =	shalt  }
0x69: {  	_ =	shalt  }
0x6a: {  	_ =	shalt  }
0x6b: {  	_ =	shalt  }
0x6c: {  	_ =	shalt  }
0x6d: {  	_ =	shalt  }
0x6e: {  	_ =	shalt  }
0x6f: {  	_ =	shalt  }
0x70: {  	_ =	shalt  }
0x71: {  	_ =	shalt  }
0x72: {  	_ =	shalt  }
0x73: {  	_ =	shalt  }
0x74: {  	_ =	shalt  }
0x75: {  	_ =	shalt  }
0x76: {  	_ =	shalt  }
0x77: {  	_ =	shalt  }
0x78: {  	_ =	shalt  }
0x79: {  	_ =	shalt  }
0x7a: {  	_ =	shalt  }
0x7b: {  	_ =	shalt  }
0x7c: {  	_ =	shalt  }
0x7d: {  	_ =	shalt  }
0x7e: {  	_ =	shalt  }
0x7f: {  	_ =	shalt  }
0x80: {  	_ =	shalt  }
0x81: {  	_ =	shalt  }
0x82: {  	_ =	shalt  }
0x83: {  	_ =	shalt  }
0x84: {  	_ =	shalt  }
0x85: {  	_ =	shalt  }
0x86: {  	_ =	shalt  }
0x87: {  	_ =	shalt  }
.Lfunc_end0:
.L_simem_size_0:
called_computation_lowered:
.L_overlay_start_0:
0x88: {  	s2 =	sld [smem:$0x3FD9]  }
0x89: {  	s3 =	sld [smem:$0x3FFE];
	_ =	sdelay $0x1  }
0x8a: {  	s1 =	srdreg.scid  }
0x8b: {  	s0 =	sand.u32 $0x1, s1  }
0x8c: {  	s14 =	sshll.u32 s0, $0xA;
	s2 =	sadd.s32 s3, s2  }
0x8d: {  	s2 =	sadd.s32 s2, s14  }
0x8e: {  	[smem:$0x3FB1] =	sst s2  }
0x8f: {  	_ = 	snop  }
0x90: {  	s2 =	sld [smem:$0x3FD0];
	_ =	sdelay $0x2  }
0x91: {  	s4 =	simm.s32 $0xA;
	s5 =	simm.s32 $0x10;
	s15 =	sld [smem:$0x3FB5]  }
0x92: {  	[smem:s5], [sflag:s4] =	dma.local [hbm:s2], $0x1  }
0x93: {  	_ =	swait.eq [sflag:s4], $0x1  }
0x94: {  	[sflag:s4] =	ssyncset.done $0x0  }
0x95: {  	[sflag:s4] =	ssyncadd.s32 $0xFFFFFFFF  }
0x96: {  	s16 =	sld [smem:$0x10];
	(tm) =	ssettm $0x1  }
0x97: {  	s17 =	sld [smem:$0x3FFB];
	_ =	sdelay $0x3  }
0x98: {  	_ =	strace s17  }
0x99: {  	s4 =	sld [smem:$0x3FFC];
	_ =	sdelay $0x3  }
0x9a: {  	_ =	strace s4  }
0x9b: {  	s4 =	sld [smem:$0x3FFD];
	_ =	sdelay $0x3  }
0x9c: {  	_ =	strace s4  }
0x9d: {  	_ =	strace $0x8FFFFFFF  }
0x9e: {  	s18 =	sld [smem:$0x3FDB];
	_ =	sdelay $0x1  }
0x9f: {  	s19 =	simm.s32 $_scs_section_size  }
0xa0: {  	s6 =	simm.s32 $_size__tile_overlayer_lowered;
	s7 =	simm.s32 $_tile_overlayer_lowered  }
0xa1: {  	s22 =	simm.s32 $0x1BFF;
	s21 =	sshll.u32 s7, $0x1;
	s4 =	sadd.s32 s19, s18  }
0xa2: {  	s8 =	simm.s32 $0x0;
	s20 =	sshll.u32 s6, $0x1;
	s6 =	sadd.s32 s21, s4  }
0xa3: {  	[timem:s8], [sflag:s22] =	dma.local [hbm:s6], s20  }
0xa4: {  	_ =	swait.ge [sflag:s22], s20  }
0xa5: {  	s5 =	ssub.s32 $0x0, s20;
	[sflag:s22] =	ssyncset.done $0x0  }
0xa6: {  	[sflag:s22] =	ssyncadd.s32 s5;
	_ =	sdelay $0x1  }
0xa7: {  	s23 =	simm.s32 $0x1B8B  }
0xa8: {  	_ =	swait.ge [sflag:s23], $0x1  }
0xa9: {  	[sflag:s23] =	ssyncset.done $0x0  }
0xaa: {  	s25 =	simm.s32 $0x1B8E;
	s24 =	sld [smem:$0x3FFE];
	[sflag:s23] =	ssyncadd.s32 $0xFFFFFFFF  }
0xab: {  	s26 =	simm.s32 $execute0_lowered;
	[smem:$0x3FD2] =	sst s25  }
0xac: {  	s6 =	sshll.u32 s26, $0x1;
	_ =	strace $0x80000046;
	[dreg:$0x1] =	wrdreg $0xFFFFFFFF  }
0xad: {  	s28 =	simm.s32 $_size_execute0_lowered;
	s4 =	sadd.s32 s4, s6;
	[dreg:$0x0] =	wrdreg $0x0  }
0xae: {  	s6 =	sshll.u32 s28, $0x1;
	[dreg:$0x2] =	wrdreg s4  }
0xaf: {  	[dreg:$0x3] =	wrdreg s6  }
0xb0: {  	[dreg:$0x4] =	wrdreg $0xC0  }
0xb1: {  	_ =	task [dreg:s8], $0x5FFFF  }
0xb2: {  	[dreg:$0x1] =	wrdreg $0xFFFFFFFF  }
0xb3: {  	[dreg:$0x0] =	wrdreg $0x60  }
0xb4: {  	[dreg:$0x2] =	wrdreg s15  }
0xb5: {  	[dreg:$0x3] =	wrdreg s24  }
0xb6: {  	[dreg:$0x4] =	wrdreg s16  }
0xb7: {  	[dreg:$0x5] =	wrdreg $0x9  }
0xb8: {  	_ =	task.clear_ibuf [dreg:s8], $0x6FFFF;
	_ =	strace $0x90000046  }
0xb9: {  	s29 =	simm.s32 $0x9;
	_ =	strace $0x80000048  }
0xba: {  	_ =	swait.ge [sflag:s29], $0x1  }
0xbb: {  	[sflag:s29] =	ssyncadd.s32 $0xFFFFFFFF  }
0xbc: {  	_ =	strace $0x90000048  }
0xbd: {  	_ =	sfence  }
0xbe: {  	s30 =	sld [smem:$0x0];
	_ =	sdelay $0x2  }
0xbf: {  	s31 =	sshll.u32 s1, $0xD;
	s1 =	sshrl.u32 s1, $0x2  }
0xc0: {  	s3 =	sand.u32 $0x4000, s31;
	s1 =	sadd.s32 s1, s30  }
0xc1: {  	s0 =	sor.u32 s3, s0;
	s1 =	sshll.u32 s1, $0x11  }
0xc2: {  	s0 =	sor.u32 s1, s0  }
0xc3: {  	s0 =	sadd.s32 $0x8F2B, s0  }
0xc4: {  	[sflag:s0] =	ssyncadd.remote.s32 $0x1  }
0xc5: {  	_ =	sfence.sel $0xFFFF  }
0xc6: {  	[dreg:$0x0] =	wrdreg $0xFFFFFFFF;
	(pc) =	sbr.abs _section_cstart, $3  }
0xc7: {  	[dreg:$0x1] =	wrdreg $0xFFFFFFFF  }
0xc8: {  	_ =	task.clear_ibuf [dreg:s8], $0x2FFFF;
	_ =	strace $0x9FFFFFFF  }
0xc9: {  	(tm) =	ssettm $0x7FFFFFFF  }
tec
execute0_lowered:
.L_overlay_start_1:
0x0: {  	(tag) =	ssettag $0x1  }
0x1: {  	s1 =	rddreg [dreg:$0x0]  }
0x2: {  	s4 =	rddreg [dreg:$0x1]  }
0x3: {  	s5 =	rddreg [dreg:$0x2];
	s3 =	simm.s32 $0x0  }
0x4: {  	s9 =	simm.s32 $0x900;
	[smem:$0x7FF] =	sst s3  }
0x5: {  	s10 =	simm.s32 $0xD00;
	_ =	strace $0x80000047;
	[dreg:$0x6] =	wrdreg s9  }
0x6: {  	s11 =	simm.s32 $0x1500;
	[dreg:$0x7] =	wrdreg s10  }
0x7: {  	s12 =	simm.s32 $0x1900;
	[dreg:$0x8] =	wrdreg s11  }
0x8: {  	s13 =	simm.s32 $0x2100;
	[dreg:$0x9] =	wrdreg s12  }
0x9: {  	s14 =	simm.s32 $0x2500;
	[dreg:$0xa] =	wrdreg s13  }
0xa: {  	s15 =	simm.s32 $0x2D00;
	[dreg:$0xb] =	wrdreg s14  }
0xb: {  	s16 =	simm.s32 $0x3100;
	[dreg:$0xc] =	wrdreg s15  }
0xc: {  	s17 =	simm.s32 $0x3900;
	[dreg:$0xd] =	wrdreg s16  }
0xd: {  	s18 =	simm.s32 $0x3D00;
	[dreg:$0xe] =	wrdreg s17  }
0xe: {  	s19 =	simm.s32 $0x4500;
	[dreg:$0xf] =	wrdreg s18  }
0xf: {  	s20 =	simm.s32 $0x4900;
	[dreg:$0x10] =	wrdreg s19  }
0x10: {  	s21 =	simm.s32 $0x5100;
	[dreg:$0x11] =	wrdreg s20  }
0x11: {  	s22 =	simm.s32 $0x5500;
	[dreg:$0x12] =	wrdreg s21  }
0x12: {  	s23 =	simm.s32 $0x5D00;
	[dreg:$0x13] =	wrdreg s22  }
0x13: {  	s24 =	simm.s32 $0x6100;
	[dreg:$0x14] =	wrdreg s23  }
0x14: {  	s25 =	simm.s32 $0x6900;
	[dreg:$0x15] =	wrdreg s24  }
0x15: {  	s0 =	stileid.u32;
	s26 =	simm.s32 $0x6D00;
	[dreg:$0x16] =	wrdreg s25  }
0x16: {  	s6 =	sshll.u32 s0, $0x6;
	s0 =	simm.s32 $0x7500;
	[dreg:$0x17] =	wrdreg s26  }
0x17: {  	[dreg:$0x18] =	wrdreg s0;
	s9 =	simm.s32 $0x9100  }
0x18: {  	s10 =	simm.s32 $0x9900;
	[dreg:$0x1d] =	wrdreg s9  }
0x19: {  	s11 =	simm.s32 $0x9D00;
	[dreg:$0x1e] =	wrdreg s10  }
0x1a: {  	s12 =	simm.s32 $0xA500;
	[dreg:$0x1f] =	wrdreg s11  }
0x1b: {  	s13 =	simm.s32 $0xA900;
	[smem:$0x7F0] =	sst s12  }
0x1c: {  	s14 =	simm.s32 $0xB100;
	[smem:$0x7F1] =	sst s13  }
0x1d: {  	s15 =	simm.s32 $0xB500;
	[smem:$0x7F2] =	sst s14  }
0x1e: {  	s16 =	simm.s32 $0xBD00;
	[smem:$0x7F3] =	sst s15  }
0x1f: {  	s2 =	srdreg.scid;
	s17 =	simm.s32 $0xC100;
	[smem:$0x7F4] =	sst s16  }
0x20: {  	s28 =	simm.s32 $0x16900;
	s18 =	simm.s32 $0xC900;
	[smem:$0x7F5] =	sst s17  }
0x21: {  	s29 =	simm.s32 $0x17100;
	s19 =	simm.s32 $0xCD00;
	[smem:$0x7F6] =	sst s18  }
0x22: {  	s30 =	simm.s32 $0x17500;
	s20 =	simm.s32 $0xD500;
	[smem:$0x7F7] =	sst s19  }
0x23: {  	s31 =	simm.s32 $0x17D00;
	s21 =	simm.s32 $0xD900;
	[smem:$0x7F8] =	sst s20  }
0x24: {  	s2 =	sand.u32 $0x1, s2;
	s23 =	simm.s32 $0xE100;
	[smem:$0x7F9] =	sst s21  }
0x25: {  	s7 =	sshll.u32 s2, $0x5;
	s24 =	simm.s32 $0xE500;
	[smem:$0x7FA] =	sst s23  }
0x26: {  	s2 =	ssub.s32 $0x2, s2;
	s25 =	simm.s32 $0xED00;
	[smem:$0x7FB] =	sst s24  }
0x27: {  	s26 =	simm.s32 $0xF100;
	s6 =	sor.u32 s7, s6;
	[smem:$0x7FC] =	sst s25  }
0x28: {  	s22 =	sshrl.u32 s2, $0x1;
	[smem:$0x7FD] =	sst s26;
	s9 =	simm.s32 $0xFD00  }
0x29: {  	s10 =	simm.s32 $0x10500;
	s11 =	simm.s32 $0x10900;
	s12 =	simm.s32 $0x11100  }
0x2a: {  	s13 =	simm.s32 $0x11500;
	s14 =	simm.s32 $0x11D00;
	s15 =	simm.s32 $0x12100  }
0x2b: {  	s16 =	simm.s32 $0x12900;
	s17 =	simm.s32 $0x12D00;
	s18 =	simm.s32 $0x13500  }
0x2c: {  	s19 =	simm.s32 $0x13900;
	s20 =	simm.s32 $0x14100;
	s21 =	simm.s32 $0x14500  }
0x2d: {  	s23 =	simm.s32 $0x15100;
	s24 =	simm.s32 $0x15900;
	s25 =	simm.s32 $0x15D00  }
0x2e: {  	s26 =	simm.s32 $0x16500;
	s7 =	smul.u32 $0x180, s6;
	s4 =	sadd.s32 s4, s6  }
0x2f: {  	s6 =	simm.s32 $0x8100;
	s2 =	ssub.s32 s2, s22;
	[dreg:$0x4] =	wrdreg s4  }
0x30: {  	s22 =	simm.s32 $0x14D00;
	[dreg:$0x1a] =	wrdreg s6;
	s8 =	sadd.s32 s5, s7  }
0x31: {  	s4 =	sadd.s32 $0x100, s1;
	s5 =	simm.s32 $0x7900;
	[dreg:$0x5] =	wrdreg s8  }
0x32: {  	v2 =	vlaneseq.u32;
	s6 =	simm.s32 $0x2;
	s7 =	simm.s32 $0x8500;
	[dreg:$0x19] =	wrdreg s5  }
0x33: {  	vm0 =	vmmov $0xffff;
	vm1 =	vmmov $0xff;
	v1 =	vshrl.u32 v2, $0x3;
	[dreg:$0x1b] =	wrdreg s7;
	s8 =	simm.s32 $0x8D00;
	s5 =	smax.u32 s2, $0x1  }
0x34: {  	v0 =	vand.u32 $0x7, v2;
	v2 =	vor.u32 $0x8, v2;
	v1 =	vmul.u32 $0x8, v1;
	s7 =	simm.s32 $0x100;
	s2 =	simm.s32 $0x1;
	[dreg:$0x1c] =	wrdreg s8  }
.LBB2_1:
0x35: {  	s0 =	rddreg [dreg:$0x4]  }
0x36: {  	[tilespmem:s3], [sflag:$0x2] =	stream.linear.gather [hbm4b:s0+s3], $0x100, $0x38;
	[tilespmem:$0x18100] =	vst v63  }
0x37: {  	_ =	swait.ge [sflag:s6], $0x100  }
0x38: {  	[sflag:s6] =	ssyncset.done $0x0  }
0x39: {  	[sflag:s6] =	ssyncadd.s32 $0xFFFFFF00  }
0x3a: {  	v3 =	vld [tilespmem:$0x0];
	_ =	sdelay $0x4  }
0x3b: {  	v4 =	vshrl.u32 v3, $0x3  }
0x3c: {  	v4 =	vmul.u32 $0x18, v4  }
0x3d: {  	v3 =	vand.u32 $0x7, v3  }
0x3e: {  	v3 =	vor.u32 v3, v4  }
0x3f: {  	v4 =	vperm.xlane v3, v0;
	_ =	sdelay $0x1  }
0x40: {  	v4 =	vadd.s32 v1, v4;
	_ =	sdelay $0x1  }
0x41: {  	v3 =	vperm.xlane v3, v2;
	_ =	sdelay $0x1  }
0x42: {  	v3 =	vadd.s32 v1, v3  }
0x43: {  	[tilespmem:s7], [sflag:$0x1] =	stream.indirect_vreg.gather [hbm4b:s1+s3], $0x80, v4, vm0, $0xb8;
	[tilespmem:$0x18100] =	vst v63  }
0x44: {  	s0 =	rddreg [dreg:$0x6]  }
0x45: {  	[tilespmem:s0], [sflag:$0x1] =	stream.indirect_vreg.gather [hbm4b:s4+s3], $0x80, v4, vm1, $0xb8;
	[tilespmem:$0x18100] =	vst v63  }
0x46: {  	s8 =	rddreg [dreg:$0x7]  }
0x47: {  	[tilespmem:s8], [sflag:$0x1] =	stream.indirect_vreg.gather [hbm4b:s1+s3], $0x80, v3, vm0, $0xb8;
	[tilespmem:$0x18100] =	vst v63  }
0x48: {  	s0 =	rddreg [dreg:$0x8]  }
0x49: {  	[tilespmem:s0], [sflag:$0x1] =	stream.indirect_vreg.gather [hbm4b:s4+s3], $0x80, v3, vm1, $0xb8;
	[tilespmem:$0x18100] =	vst v63  }
0x4a: {  	v3 =	vld [tilespmem:$0x10];
	_ =	sdelay $0x4  }
0x4b: {  	v49 =	vshrl.u32 v3, $0x3  }
0x4c: {  	v4 =	vmul.u32 $0x18, v49  }
0x4d: {  	v3 =	vand.u32 $0x7, v3  }
0x4e: {  	v3 =	vor.u32 v3, v4  }
0x4f: {  	v4 =	vperm.xlane v3, v0;
	_ =	sdelay $0x1  }
0x50: {  	v4 =	vadd.s32 v1, v4;
	_ =	sdelay $0x1  }
0x51: {  	v3 =	vperm.xlane v3, v2;
	_ =	sdelay $0x1  }
0x52: {  	s0 =	rddreg [dreg:$0x9];
	v3 =	vadd.s32 v1, v3  }
0x53: {  	[tilespmem:s0], [sflag:$0x1] =	stream.indirect_vreg.gather [hbm4b:s1+s3], $0x80, v4, vm0, $0xb8;
	[tilespmem:$0x18100] =	vst v63  }
0x54: {  	s8 =	rddreg [dreg:$0xa]  }
0x55: {  	[tilespmem:s8], [sflag:$0x1] =	stream.indirect_vreg.gather [hbm4b:s4+s3], $0x80, v4, vm1, $0xb8;
	[tilespmem:$0x18100] =	vst v63  }
0x56: {  	s0 =	rddreg [dreg:$0xb]  }
0x57: {  	[tilespmem:s0], [sflag:$0x1] =	stream.indirect_vreg.gather [hbm4b:s1+s3], $0x80, v3, vm0, $0xb8;
	[tilespmem:$0x18100] =	vst v63  }
0x58: {  	s8 =	rddreg [dreg:$0xc]  }
0x59: {  	[tilespmem:s8], [sflag:$0x1] =	stream.indirect_vreg.gather [hbm4b:s4+s3], $0x80, v3, vm1, $0xb8;
	[tilespmem:$0x18100] =	vst v63  }
0x5a: {  	v3 =	vld [tilespmem:$0x20];
	_ =	sdelay $0x4  }
0x5b: {  	v50 =	vshrl.u32 v3, $0x3  }
0x5c: {  	v4 =	vmul.u32 $0x18, v50  }
0x5d: {  	v3 =	vand.u32 $0x7, v3  }
0x5e: {  	v3 =	vor.u32 v3, v4  }
0x5f: {  	v4 =	vperm.xlane v3, v0;
	_ =	sdelay $0x1  }
0x60: {  	v4 =	vadd.s32 v1, v4;
	_ =	sdelay $0x1  }
0x61: {  	v3 =	vperm.xlane v3, v2;
	_ =	sdelay $0x1  }
0x62: {  	s0 =	rddreg [dreg:$0xd];
	v3 =	vadd.s32 v1, v3  }
0x63: {  	[tilespmem:s0], [sflag:$0x1] =	stream.indirect_vreg.gather [hbm4b:s1+s3], $0x80, v4, vm0, $0xb8;
	[tilespmem:$0x18100] =	vst v63  }
0x64: {  	s8 =	rddreg [dreg:$0xe]  }
0x65: {  	[tilespmem:s8], [sflag:$0x1] =	stream.indirect_vreg.gather [hbm4b:s4+s3], $0x80, v4, vm1, $0xb8;
	[tilespmem:$0x18100] =	vst v63  }
0x66: {  	s0 =	rddreg [dreg:$0xf]  }
0x67: {  	[tilespmem:s0], [sflag:$0x1] =	stream.indirect_vreg.gather [hbm4b:s1+s3], $0x80, v3, vm0, $0xb8;
	[tilespmem:$0x18100] =	vst v63  }
0x68: {  	s8 =	rddreg [dreg:$0x10]  }
0x69: {  	[tilespmem:s8], [sflag:$0x1] =	stream.indirect_vreg.gather [hbm4b:s4+s3], $0x80, v3, vm1, $0xb8;
	[tilespmem:$0x18100] =	vst v63  }
0x6a: {  	v3 =	vld [tilespmem:$0x30];
	_ =	sdelay $0x4  }
0x6b: {  	v51 =	vshrl.u32 v3, $0x3  }
0x6c: {  	v4 =	vmul.u32 $0x18, v51  }
0x6d: {  	v3 =	vand.u32 $0x7, v3  }
0x6e: {  	v3 =	vor.u32 v3, v4  }
0x6f: {  	v4 =	vperm.xlane v3, v0;
	_ =	sdelay $0x1  }
0x70: {  	v4 =	vadd.s32 v1, v4;
	_ =	sdelay $0x1  }
0x71: {  	v3 =	vperm.xlane v3, v2;
	_ =	sdelay $0x1  }
0x72: {  	s0 =	rddreg [dreg:$0x11];
	v3 =	vadd.s32 v1, v3  }
0x73: {  	[tilespmem:s0], [sflag:$0x1] =	stream.indirect_vreg.gather [hbm4b:s1+s3], $0x80, v4, vm0, $0xb8;
	[tilespmem:$0x18100] =	vst v63  }
0x74: {  	s8 =	rddreg [dreg:$0x12]  }
0x75: {  	[tilespmem:s8], [sflag:$0x1] =	stream.indirect_vreg.gather [hbm4b:s4+s3], $0x80, v4, vm1, $0xb8;
	[tilespmem:$0x18100] =	vst v63  }
0x76: {  	s0 =	rddreg [dreg:$0x13]  }
0x77: {  	[tilespmem:s0], [sflag:$0x1] =	stream.indirect_vreg.gather [hbm4b:s1+s3], $0x80, v3, vm0, $0xb8;
	[tilespmem:$0x18100] =	vst v63  }
0x78: {  	s8 =	rddreg [dreg:$0x14]  }
0x79: {  	[tilespmem:s8], [sflag:$0x1] =	stream.indirect_vreg.gather [hbm4b:s4+s3], $0x80, v3, vm1, $0xb8;
	[tilespmem:$0x18100] =	vst v63  }
0x7a: {  	v3 =	vld [tilespmem:$0x40];
	_ =	sdelay $0x4  }
0x7b: {  	v52 =	vshrl.u32 v3, $0x3  }
0x7c: {  	v4 =	vmul.u32 $0x18, v52  }
0x7d: {  	v3 =	vand.u32 $0x7, v3  }
0x7e: {  	v3 =	vor.u32 v3, v4  }
0x7f: {  	v4 =	vperm.xlane v3, v0;
	_ =	sdelay $0x1  }
0x80: {  	v4 =	vadd.s32 v1, v4;
	_ =	sdelay $0x1  }
0x81: {  	v3 =	vperm.xlane v3, v2;
	_ =	sdelay $0x1  }
0x82: {  	s0 =	rddreg [dreg:$0x15];
	v3 =	vadd.s32 v1, v3  }
0x83: {  	[tilespmem:s0], [sflag:$0x1] =	stream.indirect_vreg.gather [hbm4b:s1+s3], $0x80, v4, vm0, $0xb8;
	[tilespmem:$0x18100] =	vst v63  }
0x84: {  	s8 =	rddreg [dreg:$0x16]  }
0x85: {  	[tilespmem:s8], [sflag:$0x1] =	stream.indirect_vreg.gather [hbm4b:s4+s3], $0x80, v4, vm1, $0xb8;
	[tilespmem:$0x18100] =	vst v63  }
0x86: {  	s0 =	rddreg [dreg:$0x17]  }
0x87: {  	[tilespmem:s0], [sflag:$0x1] =	stream.indirect_vreg.gather [hbm4b:s1+s3], $0x80, v3, vm0, $0xb8;
	[tilespmem:$0x18100] =	vst v63  }
0x88: {  	s8 =	rddreg [dreg:$0x18]  }
0x89: {  	[tilespmem:s8], [sflag:$0x1] =	stream.indirect_vreg.gather [hbm4b:s4+s3], $0x80, v3, vm1, $0xb8;
	[tilespmem:$0x18100] =	vst v63  }
0x8a: {  	v3 =	vld [tilespmem:$0x50];
	_ =	sdelay $0x4  }
0x8b: {  	v53 =	vshrl.u32 v3, $0x3  }
0x8c: {  	v4 =	vmul.u32 $0x18, v53  }
0x8d: {  	v3 =	vand.u32 $0x7, v3  }
0x8e: {  	v3 =	vor.u32 v3, v4  }
0x8f: {  	v4 =	vperm.xlane v3, v0;
	_ =	sdelay $0x1  }
0x90: {  	v4 =	vadd.s32 v1, v4;
	_ =	sdelay $0x1  }
0x91: {  	v3 =	vperm.xlane v3, v2;
	_ =	sdelay $0x1  }
0x92: {  	s0 =	rddreg [dreg:$0x19];
	v3 =	vadd.s32 v1, v3  }
0x93: {  	[tilespmem:s0], [sflag:$0x1] =	stream.indirect_vreg.gather [hbm4b:s1+s3], $0x80, v4, vm0, $0xb8;
	[tilespmem:$0x18100] =	vst v63  }
0x94: {  	s8 =	rddreg [dreg:$0x1a]  }
0x95: {  	[tilespmem:s8], [sflag:$0x1] =	stream.indirect_vreg.gather [hbm4b:s4+s3], $0x80, v4, vm1, $0xb8;
	[tilespmem:$0x18100] =	vst v63  }
0x96: {  	s0 =	rddreg [dreg:$0x1b]  }
0x97: {  	[tilespmem:s0], [sflag:$0x1] =	stream.indirect_vreg.gather [hbm4b:s1+s3], $0x80, v3, vm0, $0xb8;
	[tilespmem:$0x18100] =	vst v63  }
0x98: {  	s8 =	rddreg [dreg:$0x1c]  }
0x99: {  	[tilespmem:s8], [sflag:$0x1] =	stream.indirect_vreg.gather [hbm4b:s4+s3], $0x80, v3, vm1, $0xb8;
	[tilespmem:$0x18100] =	vst v63  }
0x9a: {  	v3 =	vld [tilespmem:$0x60];
	_ =	sdelay $0x4  }
0x9b: {  	v54 =	vshrl.u32 v3, $0x3  }
0x9c: {  	v4 =	vmul.u32 $0x18, v54  }
0x9d: {  	v3 =	vand.u32 $0x7, v3  }
0x9e: {  	v3 =	vor.u32 v3, v4  }
0x9f: {  	v4 =	vperm.xlane v3, v0;
	_ =	sdelay $0x1  }
0xa0: {  	v4 =	vadd.s32 v1, v4;
	_ =	sdelay $0x1  }
0xa1: {  	v3 =	vperm.xlane v3, v2  }
0xa2: {  	s0 =	rddreg [dreg:$0x1d]  }
0xa3: {  	s8 =	rddreg [dreg:$0x1e];
	v3 =	vadd.s32 v1, v3  }
0xa4: {  	[tilespmem:s0], [sflag:$0x1] =	stream.indirect_vreg.gather [hbm4b:s1+s3], $0x80, v4, vm0, $0xb8;
	[tilespmem:$0x18100] =	vst v63  }
0xa5: {  	s0 =	rddreg [dreg:$0x1f]  }
0xa6: {  	[tilespmem:s8], [sflag:$0x1] =	stream.indirect_vreg.gather [hbm4b:s4+s3], $0x80, v4, vm1, $0xb8;
	[tilespmem:$0x18100] =	vst v63  }
0xa7: {  	s8 =	sld [smem:$0x7F0]  }
0xa8: {  	[tilespmem:s0], [sflag:$0x1] =	stream.indirect_vreg.gather [hbm4b:s1+s3], $0x80, v3, vm0, $0xb8;
	[tilespmem:$0x18100] =	vst v63  }
0xa9: {  	_ = 	snop  }
0xaa: {  	[tilespmem:s8], [sflag:$0x1] =	stream.indirect_vreg.gather [hbm4b:s4+s3], $0x80, v3, vm1, $0xb8;
	[tilespmem:$0x18100] =	vst v63  }
0xab: {  	v3 =	vld [tilespmem:$0x70];
	_ =	sdelay $0x4  }
0xac: {  	v55 =	vshrl.u32 v3, $0x3  }
0xad: {  	v4 =	vmul.u32 $0x18, v55  }
0xae: {  	v3 =	vand.u32 $0x7, v3  }
0xaf: {  	v3 =	vor.u32 v3, v4  }
0xb0: {  	v4 =	vperm.xlane v3, v0;
	_ =	sdelay $0x1  }
0xb1: {  	v4 =	vadd.s32 v1, v4;
	_ =	sdelay $0x1  }
0xb2: {  	s0 =	sld [smem:$0x7F1];
	v3 =	vperm.xlane v3, v2;
	_ =	sdelay $0x1  }
0xb3: {  	s8 =	sld [smem:$0x7F2];
	v3 =	vadd.s32 v1, v3  }
0xb4: {  	[tilespmem:s0], [sflag:$0x1] =	stream.indirect_vreg.gather [hbm4b:s1+s3], $0x80, v4, vm0, $0xb8;
	[tilespmem:$0x18100] =	vst v63  }
0xb5: {  	s0 =	sld [smem:$0x7F3]  }
0xb6: {  	[tilespmem:s8], [sflag:$0x1] =	stream.indirect_vreg.gather [hbm4b:s4+s3], $0x80, v4, vm1, $0xb8;
	[tilespmem:$0x18100] =	vst v63  }
0xb7: {  	s8 =	sld [smem:$0x7F4]  }
0xb8: {  	[tilespmem:s0], [sflag:$0x1] =	stream.indirect_vreg.gather [hbm4b:s1+s3], $0x80, v3, vm0, $0xb8;
	[tilespmem:$0x18100] =	vst v63  }
0xb9: {  	_ = 	snop  }
0xba: {  	[tilespmem:s8], [sflag:$0x1] =	stream.indirect_vreg.gather [hbm4b:s4+s3], $0x80, v3, vm1, $0xb8;
	[tilespmem:$0x18100] =	vst v63  }
0xbb: {  	v3 =	vld [tilespmem:$0x80];
	_ =	sdelay $0x4  }
0xbc: {  	v56 =	vshrl.u32 v3, $0x3  }
0xbd: {  	v4 =	vmul.u32 $0x18, v56  }
0xbe: {  	v3 =	vand.u32 $0x7, v3  }
0xbf: {  	v3 =	vor.u32 v3, v4  }
0xc0: {  	v4 =	vperm.xlane v3, v0;
	_ =	sdelay $0x1  }
0xc1: {  	v4 =	vadd.s32 v1, v4;
	_ =	sdelay $0x1  }
0xc2: {  	s0 =	sld [smem:$0x7F5];
	v3 =	vperm.xlane v3, v2;
	_ =	sdelay $0x1  }
0xc3: {  	s8 =	sld [smem:$0x7F6];
	v3 =	vadd.s32 v1, v3  }
0xc4: {  	[tilespmem:s0], [sflag:$0x1] =	stream.indirect_vreg.gather [hbm4b:s1+s3], $0x80, v4, vm0, $0xb8;
	[tilespmem:$0x18100] =	vst v63  }
0xc5: {  	s0 =	sld [smem:$0x7F7]  }
0xc6: {  	[tilespmem:s8], [sflag:$0x1] =	stream.indirect_vreg.gather [hbm4b:s4+s3], $0x80, v4, vm1, $0xb8;
	[tilespmem:$0x18100] =	vst v63  }
0xc7: {  	s8 =	sld [smem:$0x7F8]  }
0xc8: {  	[tilespmem:s0], [sflag:$0x1] =	stream.indirect_vreg.gather [hbm4b:s1+s3], $0x80, v3, vm0, $0xb8;
	[tilespmem:$0x18100] =	vst v63  }
0xc9: {  	_ = 	snop  }
0xca: {  	[tilespmem:s8], [sflag:$0x1] =	stream.indirect_vreg.gather [hbm4b:s4+s3], $0x80, v3, vm1, $0xb8;
	[tilespmem:$0x18100] =	vst v63  }
0xcb: {  	v3 =	vld [tilespmem:$0x90];
	_ =	sdelay $0x4  }
0xcc: {  	v57 =	vshrl.u32 v3, $0x3  }
0xcd: {  	v4 =	vmul.u32 $0x18, v57  }
0xce: {  	v3 =	vand.u32 $0x7, v3  }
0xcf: {  	v3 =	vor.u32 v3, v4  }
0xd0: {  	v4 =	vperm.xlane v3, v0;
	_ =	sdelay $0x1  }
0xd1: {  	v4 =	vadd.s32 v1, v4;
	_ =	sdelay $0x1  }
0xd2: {  	s0 =	sld [smem:$0x7F9];
	v3 =	vperm.xlane v3, v2;
	_ =	sdelay $0x1  }
0xd3: {  	s8 =	sld [smem:$0x7FA];
	v3 =	vadd.s32 v1, v3  }
0xd4: {  	[tilespmem:s0], [sflag:$0x1] =	stream.indirect_vreg.gather [hbm4b:s1+s3], $0x80, v4, vm0, $0xb8;
	[tilespmem:$0x18100] =	vst v63  }
0xd5: {  	s0 =	sld [smem:$0x7FB]  }
0xd6: {  	[tilespmem:s8], [sflag:$0x1] =	stream.indirect_vreg.gather [hbm4b:s4+s3], $0x80, v4, vm1, $0xb8;
	[tilespmem:$0x18100] =	vst v63  }
0xd7: {  	s8 =	sld [smem:$0x7FC]  }
0xd8: {  	[tilespmem:s0], [sflag:$0x1] =	stream.indirect_vreg.gather [hbm4b:s1+s3], $0x80, v3, vm0, $0xb8;
	[tilespmem:$0x18100] =	vst v63  }
0xd9: {  	_ = 	snop  }
0xda: {  	[tilespmem:s8], [sflag:$0x1] =	stream.indirect_vreg.gather [hbm4b:s4+s3], $0x80, v3, vm1, $0xb8;
	[tilespmem:$0x18100] =	vst v63  }
0xdb: {  	v3 =	vld [tilespmem:$0xA0];
	_ =	sdelay $0x4  }
0xdc: {  	v58 =	vshrl.u32 v3, $0x3  }
0xdd: {  	v4 =	vmul.u32 $0x18, v58  }
0xde: {  	v3 =	vand.u32 $0x7, v3  }
0xdf: {  	v3 =	vor.u32 v3, v4  }
0xe0: {  	v4 =	vperm.xlane v3, v0;
	_ =	sdelay $0x1  }
0xe1: {  	v4 =	vadd.s32 v1, v4;
	_ =	sdelay $0x1  }
0xe2: {  	s8 =	sld [smem:$0x7FD];
	v3 =	vperm.xlane v3, v2;
	_ =	sdelay $0x1  }
0xe3: {  	v3 =	vadd.s32 v1, v3  }
0xe4: {  	[tilespmem:s8], [sflag:$0x1] =	stream.indirect_vreg.gather [hbm4b:s1+s3], $0x80, v4, vm0, $0xb8;
	[tilespmem:$0x18100] =	vst v63  }
0xe5: {  	s8 =	simm.s32 $0xF900  }
0xe6: {  	[tilespmem:s8], [sflag:$0x1] =	stream.indirect_vreg.gather [hbm4b:s4+s3], $0x80, v4, vm1, $0xb8;
	[tilespmem:$0x18100] =	vst v63  }
0xe7: {  	_ = 	snop  }
0xe8: {  	[tilespmem:s9], [sflag:$0x1] =	stream.indirect_vreg.gather [hbm4b:s1+s3], $0x80, v3, vm0, $0xb8;
	[tilespmem:$0x18100] =	vst v63  }
0xe9: {  	_ = 	snop  }
0xea: {  	[tilespmem:s10], [sflag:$0x1] =	stream.indirect_vreg.gather [hbm4b:s4+s3], $0x80, v3, vm1, $0xb8;
	[tilespmem:$0x18100] =	vst v63  }
0xeb: {  	v3 =	vld [tilespmem:$0xB0];
	_ =	sdelay $0x4  }
0xec: {  	v59 =	vshrl.u32 v3, $0x3  }
0xed: {  	v4 =	vmul.u32 $0x18, v59  }
0xee: {  	v3 =	vand.u32 $0x7, v3  }
0xef: {  	v3 =	vor.u32 v3, v4  }
0xf0: {  	v4 =	vperm.xlane v3, v0;
	_ =	sdelay $0x1  }
0xf1: {  	v4 =	vadd.s32 v1, v4;
	_ =	sdelay $0x1  }
0xf2: {  	v3 =	vperm.xlane v3, v2;
	_ =	sdelay $0x1  }
0xf3: {  	v3 =	vadd.s32 v1, v3  }
0xf4: {  	[tilespmem:s11], [sflag:$0x1] =	stream.indirect_vreg.gather [hbm4b:s1+s3], $0x80, v4, vm0, $0xb8;
	[tilespmem:$0x18100] =	vst v63  }
0xf5: {  	_ = 	snop  }
0xf6: {  	[tilespmem:s12], [sflag:$0x1] =	stream.indirect_vreg.gather [hbm4b:s4+s3], $0x80, v4, vm1, $0xb8;
	[tilespmem:$0x18100] =	vst v63  }
0xf7: {  	_ = 	snop  }
0xf8: {  	[tilespmem:s13], [sflag:$0x1] =	stream.indirect_vreg.gather [hbm4b:s1+s3], $0x80, v3, vm0, $0xb8;
	[tilespmem:$0x18100] =	vst v63  }
0xf9: {  	_ = 	snop  }
0xfa: {  	[tilespmem:s14], [sflag:$0x1] =	stream.indirect_vreg.gather [hbm4b:s4+s3], $0x80, v3, vm1, $0xb8;
	[tilespmem:$0x18100] =	vst v63  }
0xfb: {  	v3 =	vld [tilespmem:$0xC0];
	_ =	sdelay $0x4  }
0xfc: {  	v60 =	vshrl.u32 v3, $0x3  }
0xfd: {  	v4 =	vmul.u32 $0x18, v60  }
0xfe: {  	v3 =	vand.u32 $0x7, v3  }
0xff: {  	v3 =	vor.u32 v3, v4  }
0x100: {  	v4 =	vperm.xlane v3, v0;
	_ =	sdelay $0x1  }
0x101: {  	v4 =	vadd.s32 v1, v4;
	_ =	sdelay $0x1  }
0x102: {  	v3 =	vperm.xlane v3, v2;
	_ =	sdelay $0x1  }
0x103: {  	v3 =	vadd.s32 v1, v3  }
0x104: {  	[tilespmem:s15], [sflag:$0x1] =	stream.indirect_vreg.gather [hbm4b:s1+s3], $0x80, v4, vm0, $0xb8;
	[tilespmem:$0x18100] =	vst v63  }
0x105: {  	_ = 	snop  }
0x106: {  	[tilespmem:s16], [sflag:$0x1] =	stream.indirect_vreg.gather [hbm4b:s4+s3], $0x80, v4, vm1, $0xb8;
	[tilespmem:$0x18100] =	vst v63  }
0x107: {  	_ = 	snop  }
0x108: {  	[tilespmem:s17], [sflag:$0x1] =	stream.indirect_vreg.gather [hbm4b:s1+s3], $0x80, v3, vm0, $0xb8;
	[tilespmem:$0x18100] =	vst v63  }
0x109: {  	_ = 	snop  }
0x10a: {  	[tilespmem:s18], [sflag:$0x1] =	stream.indirect_vreg.gather [hbm4b:s4+s3], $0x80, v3, vm1, $0xb8;
	[tilespmem:$0x18100] =	vst v63  }
0x10b: {  	v3 =	vld [tilespmem:$0xD0];
	_ =	sdelay $0x4  }
0x10c: {  	v61 =	vshrl.u32 v3, $0x3  }
0x10d: {  	v4 =	vmul.u32 $0x18, v61  }
0x10e: {  	v3 =	vand.u32 $0x7, v3  }
0x10f: {  	v3 =	vor.u32 v3, v4  }
0x110: {  	v4 =	vperm.xlane v3, v0;
	_ =	sdelay $0x1  }
0x111: {  	v4 =	vadd.s32 v1, v4;
	_ =	sdelay $0x1  }
0x112: {  	v3 =	vperm.xlane v3, v2;
	_ =	sdelay $0x1  }
0x113: {  	v3 =	vadd.s32 v1, v3  }
0x114: {  	[tilespmem:s19], [sflag:$0x1] =	stream.indirect_vreg.gather [hbm4b:s1+s3], $0x80, v4, vm0, $0xb8;
	[tilespmem:$0x18100] =	vst v63  }
0x115: {  	_ = 	snop  }
0x116: {  	[tilespmem:s20], [sflag:$0x1] =	stream.indirect_vreg.gather [hbm4b:s4+s3], $0x80, v4, vm1, $0xb8;
	[tilespmem:$0x18100] =	vst v63  }
0x117: {  	_ = 	snop  }
0x118: {  	[tilespmem:s21], [sflag:$0x1] =	stream.indirect_vreg.gather [hbm4b:s1+s3], $0x80, v3, vm0, $0xb8;
	[tilespmem:$0x18100] =	vst v63  }
0x119: {  	_ = 	snop  }
0x11a: {  	[tilespmem:s22], [sflag:$0x1] =	stream.indirect_vreg.gather [hbm4b:s4+s3], $0x80, v3, vm1, $0xb8;
	[tilespmem:$0x18100] =	vst v63  }
0x11b: {  	v3 =	vld [tilespmem:$0xE0];
	_ =	sdelay $0x4  }
0x11c: {  	v62 =	vshrl.u32 v3, $0x3  }
0x11d: {  	v4 =	vmul.u32 $0x18, v62  }
0x11e: {  	v3 =	vand.u32 $0x7, v3  }
0x11f: {  	v3 =	vor.u32 v3, v4  }
0x120: {  	v4 =	vperm.xlane v3, v0;
	_ =	sdelay $0x1  }
0x121: {  	v4 =	vadd.s32 v1, v4;
	_ =	sdelay $0x1  }
0x122: {  	v3 =	vperm.xlane v3, v2;
	_ =	sdelay $0x1  }
0x123: {  	v3 =	vadd.s32 v1, v3  }
0x124: {  	[tilespmem:s23], [sflag:$0x1] =	stream.indirect_vreg.gather [hbm4b:s1+s3], $0x80, v4, vm0, $0xb8;
	[tilespmem:$0x18100] =	vst v63  }
0x125: {  	_ = 	snop  }
0x126: {  	[tilespmem:s24], [sflag:$0x1] =	stream.indirect_vreg.gather [hbm4b:s4+s3], $0x80, v4, vm1, $0xb8;
	[tilespmem:$0x18100] =	vst v63  }
0x127: {  	_ = 	snop  }
0x128: {  	[tilespmem:s25], [sflag:$0x1] =	stream.indirect_vreg.gather [hbm4b:s1+s3], $0x80, v3, vm0, $0xb8;
	[tilespmem:$0x18100] =	vst v63  }
0x129: {  	_ = 	snop  }
0x12a: {  	[tilespmem:s26], [sflag:$0x1] =	stream.indirect_vreg.gather [hbm4b:s4+s3], $0x80, v3, vm1, $0xb8;
	[tilespmem:$0x18100] =	vst v63  }
0x12b: {  	v3 =	vld [tilespmem:$0xF0];
	_ =	sdelay $0x4  }
0x12c: {  	v63 =	vshrl.u32 v3, $0x3  }
0x12d: {  	v4 =	vmul.u32 $0x18, v63  }
0x12e: {  	v3 =	vand.u32 $0x7, v3  }
0x12f: {  	v3 =	vor.u32 v3, v4  }
0x130: {  	v4 =	vperm.xlane v3, v0;
	_ =	sdelay $0x1  }
0x131: {  	v4 =	vadd.s32 v1, v4;
	_ =	sdelay $0x1  }
0x132: {  	v3 =	vperm.xlane v3, v2;
	_ =	sdelay $0x1  }
0x133: {  	v3 =	vadd.s32 v1, v3  }
0x134: {  	[tilespmem:s28], [sflag:$0x1] =	stream.indirect_vreg.gather [hbm4b:s1+s3], $0x80, v4, vm0, $0xb8;
	[tilespmem:$0x18100] =	vst v63  }
0x135: {  	_ = 	snop  }
0x136: {  	[tilespmem:s29], [sflag:$0x1] =	stream.indirect_vreg.gather [hbm4b:s4+s3], $0x80, v4, vm1, $0xb8;
	[tilespmem:$0x18100] =	vst v63  }
0x137: {  	_ = 	snop  }
0x138: {  	[tilespmem:s30], [sflag:$0x1] =	stream.indirect_vreg.gather [hbm4b:s1+s3], $0x80, v3, vm0, $0xb8;
	[tilespmem:$0x18100] =	vst v63  }
0x139: {  	_ = 	snop  }
0x13a: {  	[tilespmem:s31], [sflag:$0x1] =	stream.indirect_vreg.gather [hbm4b:s4+s3], $0x80, v3, vm1, $0xb8;
	[tilespmem:$0x18100] =	vst v63  }
0x13b: {  	_ =	swait.ge [sflag:s2], $0x18000  }
0x13c: {  	p0 =	sne.s32 s5, $0x1;
	[sflag:s2] =	ssyncset.done $0x0  }
.Ltmp0:
0x13d: {  	s8 =	rddreg [dreg:$0x5];
	[sflag:s2] =	ssyncadd.s32 $0xFFFE8000;
	(pc) =	sbr.rel @p0 .LBB2_1-.Ltmp0, $4  }
0x13e: {  	[hbm4b:s8+s3] =	stream.linear.scatter [tilespmem:s7], [sflag:$0x2], $0x18000, $0x38;
	[tilespmem:$0x18100] =	vst v63  }
0x13f: {  	_ =	swait.ge [sflag:s6], $0x18000  }
0x140: {  	[sflag:s6] =	ssyncset.done $0x0  }
0x141: {  	s5 =	sadd.s32 $0xFFFFFFFF, s5;
	[sflag:s6] =	ssyncadd.s32 $0xFFFE8000  }
0x142: {  	_ =	sfence.sel $0x180000  }
0x143: {  	[bflag:$0x0] =	sbarrier.arrive $0xFFFF  }
0x144: {  	_ =	strace $0x90000047  }
0x145: {  	s0 =	stileid.u32;
	[bflag:$0x2] =	sbarrier.arrive $0xFFFF  }
0x146: {  	p0 =	sne.s32 s0, $0x0;
	s0 =	rddreg [dreg:$0x3]  }
0x147: {  	s0 =	sadd.s32 @!p0 $0x100000, s0  }
0x148: {  	[sflag:s0] =	ssyncadd.tile.s32 @!p0 $0x1;
	_ =	shalt  }
.Lfunc_end2:
_tile_overlayer_lowered:
.L_overlay_start_2:
0x149: {  	(tag) =	ssettag $0x2  }
0x14a: {  	s0 =	rddreg [dreg:$0x0];
	s2 =	stileid.u32  }
0x14b: {  	s1 =	rddreg [dreg:$0x1];
	p0 =	sne.s32 s2, $0x0  }
0x14c: {  	s3 =	rddreg [dreg:$0x2];
	[bflag:$0x3] =	sbarrier.arrive $0xFFFF;
	s2 =	simm.s32 @!p0 $0x1C02  }
0x14d: {  	[timem:s3], [sflag:s2] =	dma.local @!p0 [hbm:s0], s1  }
0x14e: {  	s0 =	simm.s32 @!p0 $0x2  }
0x14f: {  	_ =	swait.ge @!p0 [sflag:s0], s1  }
0x150: {  	s1 =	ssub.s32 @!p0 $0x0, s1;
	[sflag:s0] =	ssyncset.done @!p0 $0x0  }
0x151: {  	[sflag:s0] =	ssyncadd.s32 @!p0 s1  }
0x152: {  	[bflag:$0x3] =	sbarrier.arrive $0xFFFF  }
0x153: {  	_ =	shalt  }

</sc_bundles>
